<compile_context>
chip_gen: v7x
topology: tpu7x:2x2x1
jax: 0.10.2.dev20260603
libtpu: 0.0.44.dev20260713+nightly
codegen_flags: <defaults>
</compile_context>

<pallas_src>
import functools

import jax
import jax.numpy as jnp
import numpy as np
from jax.experimental import pallas as pl

_TED = 128
_BIG = 1e10


def _fps_body(npoint, x_ref, y_ref, z_ref, cent_ref):
    B, N = x_ref.shape
    iota = jax.lax.broadcasted_iota(jnp.int32, (B, N), 1)
    lane_np = jax.lax.broadcasted_iota(jnp.int32, (B, npoint), 1)
    xs = x_ref[...]
    ys = y_ref[...]
    zs = z_ref[...]

    def step(i, carry):
        dist, far = carry
        m32 = (lane_np == i).astype(jnp.int32)
        cur = cent_ref[...]
        cent_ref[...] = cur + (far - cur) * m32
        sel = iota == far
        cx = jnp.sum(jnp.where(sel, xs, 0.0), axis=1, keepdims=True)
        cy = jnp.sum(jnp.where(sel, ys, 0.0), axis=1, keepdims=True)
        cz = jnp.sum(jnp.where(sel, zs, 0.0), axis=1, keepdims=True)
        dx = xs - cx
        dy = ys - cy
        dz = zs - cz
        d = dx * dx + dy * dy + dz * dz
        dist = jnp.minimum(dist, d)
        m = jnp.max(dist, axis=1, keepdims=True)
        far_new = jnp.min(
            jnp.where(dist == m, iota, N), axis=1, keepdims=True
        ).astype(jnp.int32)
        return dist, far_new

    dist0 = xs * 0.0 + _BIG
    far0 = (xs[:, 0:1] * 0.0).astype(jnp.int32)
    jax.lax.fori_loop(0, npoint, step, (dist0, far0))


def _fps(xyz, npoint):
    B, N, _ = xyz.shape
    xt = jnp.transpose(xyz, (0, 2, 1))
    return pl.pallas_call(
        functools.partial(_fps_body, npoint),
        out_shape=jax.ShapeDtypeStruct((B, npoint), jnp.int32),
    )(xt[:, 0], xt[:, 1], xt[:, 2])


def _pair_d(q, p):
    qx = q[:, 0:1]
    qy = q[:, 1:2]
    qz = q[:, 2:3]
    qn = qx * qx + qy * qy + qz * qz
    px = p[0:1, :]
    py = p[1:2, :]
    pz = p[2:3, :]
    pn = px * px + py * py + pz * pz
    cross = jnp.dot(q, p, preferred_element_type=jnp.float32)
    return qn + pn - 2.0 * cross


def _ballq_body(r2, nsample, q_ref, p_ref, out_ref):
    q = q_ref[0]
    p = p_ref[0]
    S = q.shape[0]
    N = p.shape[1]
    d = _pair_d(q, p)
    iota = jax.lax.broadcasted_iota(jnp.int32, (S, N), 1)
    lane_k = jax.lax.broadcasted_iota(jnp.int32, (S, nsample), 1)
    idxm = jnp.where(d > r2, N, iota)
    first = jnp.min(idxm, axis=1, keepdims=True)

    def step(s, cur):
        cand = jnp.min(jnp.where(idxm > cur, idxm, N), axis=1, keepdims=True)
        sel = jnp.where(cand == N, first, cand).astype(jnp.int32)
        m32 = (lane_k == s).astype(jnp.int32)
        acc = out_ref[0]
        out_ref[0] = acc + (sel - acc) * m32
        return jnp.where(cand == N, cur, cand).astype(jnp.int32)

    cur0 = (q[:, 0:1] * 0.0).astype(jnp.int32) - 1
    jax.lax.fori_loop(0, nsample, step, cur0)


def _ballq(radius, nsample, xyz, new_xyz):
    B, N, _ = xyz.shape
    S = new_xyz.shape[1]
    pt = jnp.transpose(xyz, (0, 2, 1))
    return pl.pallas_call(
        functools.partial(_ballq_body, radius * radius, nsample),
        grid=(B,),
        in_specs=[
            pl.BlockSpec((1, S, 3), lambda b: (b, 0, 0)),
            pl.BlockSpec((1, 3, N), lambda b: (b, 0, 0)),
        ],
        out_specs=pl.BlockSpec((1, S, nsample), lambda b: (b, 0, 0)),
        out_shape=jax.ShapeDtypeStruct((B, S, nsample), jnp.int32),
    )(new_xyz, pt)


def _knn3_body(q_ref, p_ref, idx_ref, w_ref):
    q = q_ref[0]
    p = p_ref[0]
    S = q.shape[0]
    N = p.shape[1]
    d = _pair_d(q, p)
    iota = jax.lax.broadcasted_iota(jnp.int32, (S, N), 1)
    work = d
    js = []
    ms = []
    for _ in range(3):
        m = jnp.min(work, axis=1, keepdims=True)
        j = jnp.min(jnp.where(work == m, iota, N), axis=1, keepdims=True)
        js.append(j.astype(jnp.int32))
        ms.append(m)
        work = jnp.where(iota == j, _BIG, work)
    r0 = 1.0 / (ms[0] + 1e-8)
    r1 = 1.0 / (ms[1] + 1e-8)
    r2 = 1.0 / (ms[2] + 1e-8)
    rs = r0 + r1 + r2
    idx_ref[0] = jnp.concatenate(js, axis=1)
    w_ref[0] = jnp.concatenate([r0 / rs, r1 / rs, r2 / rs], axis=1)


def _knn3(xyz1, xyz2):
    B, N1, _ = xyz1.shape
    N2 = xyz2.shape[1]
    pt = jnp.transpose(xyz2, (0, 2, 1))
    return pl.pallas_call(
        _knn3_body,
        grid=(B,),
        in_specs=[
            pl.BlockSpec((1, N1, 3), lambda b: (b, 0, 0)),
            pl.BlockSpec((1, 3, N2), lambda b: (b, 0, 0)),
        ],
        out_specs=[
            pl.BlockSpec((1, N1, 3), lambda b: (b, 0, 0)),
            pl.BlockSpec((1, N1, 3), lambda b: (b, 0, 0)),
        ],
        out_shape=[
            jax.ShapeDtypeStruct((B, N1, 3), jnp.int32),
            jax.ShapeDtypeStruct((B, N1, 3), jnp.float32),
        ],
    )(xyz1, pt)


def _index_pts(points, idx):
    return jax.vmap(lambda p, i: p[i])(points, idx)


def _time_emb(t, dim):
    half = dim // 2
    e = np.log(10000.0) / (half - 1)
    e = jnp.exp(jnp.arange(half) * -e)
    e = t[:, None] * e[None, :]
    return jnp.concatenate([jnp.sin(e), jnp.cos(e)], axis=-1)


def _cconv(x, te, p):
    tproj = jax.nn.gelu(te) @ p['tw'].T + p['tb']
    x = x + tproj[:, :, None]
    x = jnp.einsum('oc,bcl->bol', p['cw'], x) + p['cb'][None, :, None]
    m = jnp.mean(x, axis=(0, 2), keepdims=True)
    v = jnp.var(x, axis=(0, 2), keepdims=True)
    x = (x - m) / jnp.sqrt(v + 1e-5)
    x = x * p['g'][None, :, None] + p['bb'][None, :, None]
    return jax.nn.gelu(x)


def _sa(xyz, points, te, npoint, radius, nsample, convs):
    if npoint is None:
        if points is not None:
            pp = jnp.concatenate(
                [xyz, jnp.transpose(points, (0, 2, 1))], axis=-1)
        else:
            pp = xyz
        pp = jnp.transpose(pp, (0, 2, 1))
        for p in convs:
            pp = _cconv(pp, te, p)
        return None, jnp.max(pp, axis=2)[:, :, None]
    fi = _fps(xyz, npoint)
    new_xyz = _index_pts(xyz, fi)
    idx = _ballq(radius, nsample, xyz, new_xyz)
    g = _index_pts(xyz, idx) - new_xyz[:, :, None, :]
    if points is not None:
        gp = _index_pts(jnp.transpose(points, (0, 2, 1)), idx)
        h = jnp.concatenate([g, gp], axis=-1)
    else:
        h = g
    h = jnp.transpose(h, (0, 3, 1, 2))
    for p in convs:
        B, C, S, K = h.shape
        h = _cconv(h.reshape(B, C, S * K), te, p).reshape(B, -1, S, K)
    return new_xyz, jnp.max(h, axis=3)


def _fp(xyz1, xyz2, points1, points2, te, convs):
    B, N, _ = xyz1.shape
    S = points2.shape[2]
    if S == 1:
        interp = jnp.broadcast_to(points2, (B, points2.shape[1], N))
    else:
        idx, w = _knn3(xyz1, xyz2)
        oh = jax.nn.one_hot(idx, S, dtype=jnp.float32)
        wm = jnp.sum(oh * w[..., None], axis=2)
        interp = jnp.einsum('bcs,bns->bcn', points2, wm,
                            precision=jax.lax.Precision.HIGHEST)
    x = interp if points1 is None else jnp.concatenate([points1, interp], axis=1)
    for p in convs:
        x = _cconv(x, te, p)
    return x


def kernel(x, t, params):
    te = _time_emb(t, _TED)
    l1x, l1p = _sa(x, None, te, 512, 0.2, 32, params['sa1'])
    l2x, l2p = _sa(l1x, l1p, te, 128, 0.4, 64, params['sa2'])
    l3x, l3p = _sa(l2x, l2p, te, None, None, None, params['sa3'])
    l2p = _fp(l2x, l3x, l2p, l3p, te, params['fp3'])
    l1p = _fp(l1x, l2x, l1p, l2p, te, params['fp2'])
    l0p = _fp(x, l1x, None, l1p, te, params['fp1'])
    return (jnp.einsum('oc,bcl->bol', params['head_w'], l0p)
            + params['head_b'][None, :, None])

# --- scband reference (transcript-rebuilt; emitter-appended) ---
"""Pipeline reference for scband-point-net2-unet-for-flow-matching-523986010542 (READ-ONLY COPY).

The authoritative reference and input builder live on the scoring server;
editing this copy changes nothing except your own understanding.
"""

import jax, jax.numpy as jnp
import numpy as np

TED = 128

def sqdist(a, b):
    return jnp.sum(a ** 2, -1)[:, :, None] + jnp.sum(b ** 2, -1)[:, None, :] - 2.0 * jnp.einsum('bnd,bmd->bnm', a, b)

def index_points(points, idx):
    return jax.vmap(lambda p, i: p[i])(points, idx)

def farthest_point_sample(xyz, npoint):
    xyz = jax.lax.stop_gradient(xyz)
    B, N, _ = xyz.shape
    def body(i, state):
        cent, dist, far = state
        cent = cent.at[:, i].set(far)
        c = jax.vmap(lambda p, j: p[j])(xyz, far)[:, None, :]
        d = jnp.sum((xyz - c) ** 2, -1)
        dist = jnp.minimum(dist, d)
        far = jnp.argmax(dist, axis=-1).astype(jnp.int32)
        return cent, dist, far
    cent = jnp.zeros((B, npoint), jnp.int32)
    dist = jnp.full((B, N), 1e10, jnp.float32)
    far = jnp.zeros((B,), jnp.int32)
    cent, _, _ = jax.lax.fori_loop(0, npoint, body, (cent, dist, far))
    return cent

def query_ball_point(radius, nsample, xyz, new_xyz):
    B, N, _ = xyz.shape
    S = new_xyz.shape[1]
    d = sqdist(new_xyz, xyz)
    gi = jnp.broadcast_to(jnp.arange(N, dtype=jnp.int32)[None, None, :], (B, S, N))
    gi = jnp.where(d > radius ** 2, N, gi)
    gi = jnp.sort(gi, axis=-1)[:, :, :nsample]
    gf = jnp.broadcast_to(gi[:, :, :1], gi.shape)
    gi = jnp.where(gi == N, gf, gi)
    return gi

def time_embedding(t, dim):
    half = dim // 2
    e = np.log(10000.0) / (half - 1)
    e = jnp.exp(jnp.arange(half) * -e)
    e = t[:, None] * e[None, :]
    return jnp.concatenate([jnp.sin(e), jnp.cos(e)], axis=-1)

def cconv(x, te, p):
    tproj = jax.nn.gelu(te) @ p['tw'].T + p['tb']
    x = x + tproj[:, :, None]
    x = jnp.einsum('oc,bcl->bol', p['cw'], x) + p['cb'][None, :, None]
    m = jnp.mean(x, axis=(0, 2), keepdims=True)
    v = jnp.var(x, axis=(0, 2), keepdims=True)
    x = (x - m) / jnp.sqrt(v + 1e-5)
    x = x * p['g'][None, :, None] + p['bb'][None, :, None]
    return jax.nn.gelu(x)

def sa(xyz, points, te, npoint, radius, nsample, convs):
    if npoint is None:
        if points is not None:
            pp = jnp.concatenate([xyz, jnp.transpose(points, (0, 2, 1))], axis=-1)
        else:
            pp = xyz
        pp = jnp.transpose(pp, (0, 2, 1))
        for p in convs:
            pp = cconv(pp, te, p)
        return None, jnp.max(pp, axis=2)[:, :, None]
    fi = farthest_point_sample(xyz, npoint)
    new_xyz = index_points(xyz, fi)
    idx = query_ball_point(radius, nsample, xyz, new_xyz)
    g = index_points(xyz, idx) - new_xyz[:, :, None, :]
    if points is not None:
        gp = index_points(jnp.transpose(points, (0, 2, 1)), idx)
        h = jnp.concatenate([g, gp], axis=-1)
    else:
        h = g
    h = jnp.transpose(h, (0, 3, 1, 2))
    for p in convs:
        B, C, S, K = h.shape
        h = cconv(h.reshape(B, C, S * K), te, p).reshape(B, -1, S, K)
    return new_xyz, jnp.max(h, axis=3)

def fp(xyz1, xyz2, points1, points2, te, convs):
    B, N, _ = xyz1.shape
    S = points2.shape[2]
    if S == 1:
        interp = jnp.broadcast_to(points2, (B, points2.shape[1], N))
    else:
        d = sqdist(xyz1, xyz2)
        idx = jnp.argsort(d, axis=-1)[:, :, :3]
        dd = jnp.take_along_axis(d, idx, axis=-1)
        r = 1.0 / (dd + 1e-8)
        w = r / jnp.sum(r, axis=2, keepdims=True)
        interp = jnp.sum(index_points(jnp.transpose(points2, (0, 2, 1)), idx) * w[..., None], axis=2)
        interp = jnp.transpose(interp, (0, 2, 1))
    x = interp if points1 is None else jnp.concatenate([points1, interp], axis=1)
    for p in convs:
        x = cconv(x, te, p)
    return x

def forward(x, t, params):
    te = time_embedding(t, TED)
    l1x, l1p = sa(x, None, te, 512, 0.2, 32, params['sa1'])
    l2x, l2p = sa(l1x, l1p, te, 128, 0.4, 64, params['sa2'])
    l3x, l3p = sa(l2x, l2p, te, None, None, None, params['sa3'])
    l2p = fp(l2x, l3x, l2p, l3p, te, params['fp3'])
    l1p = fp(l1x, l2x, l1p, l2p, te, params['fp2'])
    l0p = fp(x, l1x, None, l1p, te, params['fp1'])
    return jnp.einsum('oc,bcl->bol', params['head_w'], l0p) + params['head_b'][None, :, None]

def make_cc(key, cin, cout):
    k1, k2 = jax.random.split(key)
    return {'tw': jax.random.normal(k1, (cin, TED)) * 0.02, 'tb': jnp.zeros((cin,)), 'cw': jax.random.normal(k2, (cout, cin)) * 0.02, 'cb': jnp.zeros((cout,)), 'g': jnp.ones((cout,)), 'bb': jnp.zeros((cout,))}

def make_params(key):
    specs = [('sa1', [(3, 64), (64, 64), (64, 128)]), ('sa2', [(131, 128), (128, 128), (128, 256)]), ('sa3', [(259, 256), (256, 512), (512, 1024)]), ('fp3', [(1280, 256), (256, 256)]), ('fp2', [(384, 256), (256, 128)]), ('fp1', [(128, 128), (128, 128), (128, 128)])]
    params = {}
    i = 0
    for name, lst in specs:
        params[name] = []
        for cin, cout in lst:
            params[name].append(make_cc(jax.random.fold_in(key, i), cin, cout))
            i += 1
    kh = jax.random.fold_in(key, 999)
    params['head_w'] = jax.random.normal(kh, (3, 128)) * 0.02
    params['head_b'] = jnp.zeros((3,))
    return params

def setup_inputs(seed: int = 0):
    key = jax.random.key(seed)
    k1, k2, k3 = jax.random.split(key, 3)
    x = jax.random.normal(k1, (16, 2048, 3), dtype=jnp.float32)
    t = jax.random.uniform(k2, (16,), dtype=jnp.float32)
    params = make_params(k3)
    return {'x': x, 't': t, 'params': params}

def reference(x, t, params):
    return forward(x, t, params)

if __name__ == "__main__":
    import jax
    _d = setup_inputs()
    print(jax.jit(kernel)(*tuple(_d.values())))

</pallas_src>

<mosaic_0001>
module attributes {stable_mosaic.version = 14 : i64} {
  func.func @_fps_body(%arg0: memref<16x2048xf32, #tpu.memory_space<vmem>>, %arg1: memref<16x2048xf32, #tpu.memory_space<vmem>>, %arg2: memref<16x2048xf32, #tpu.memory_space<vmem>>, %arg3: memref<16x512xi32, #tpu.memory_space<vmem>>) attributes {dimension_semantics = [], scalar_prefetch = 0 : i64, scratch_operands = 0 : i64, tpu.core_type = #tpu.core_type<tc>} {
    %iota3A = tpu.iota {dimensions = array<i32: 1>} : vector<16x2048xi32>
    %iota3A_0 = tpu.iota {dimensions = array<i32: 1>} : vector<16x512xi32>
    %get3A = arith.constant 0 : index
    %get3A_1 = arith.constant 0 : index
    %get3A_2 = vector.load %arg0[%get3A, %get3A_1] : memref<16x2048xf32, #tpu.memory_space<vmem>>, vector<16x2048xf32>
    %get3A_3 = arith.constant 0 : index
    %get3A_4 = arith.constant 0 : index
    %get3A_5 = vector.load %arg1[%get3A_3, %get3A_4] : memref<16x2048xf32, #tpu.memory_space<vmem>>, vector<16x2048xf32>
    %get3A_6 = arith.constant 0 : index
    %get3A_7 = arith.constant 0 : index
    %get3A_8 = vector.load %arg2[%get3A_6, %get3A_7] : memref<16x2048xf32, #tpu.memory_space<vmem>>, vector<16x2048xf32>
    %mul3A = arith.constant 0.000000e+00 : f32
    %mul3A_9 = vector.broadcast %mul3A : f32 to vector<16x2048xf32>
    %mul3A_10 = arith.mulf %get3A_2, %mul3A_9 : vector<16x2048xf32>
    %add3A = arith.constant 1.000000e+10 : f32
    %add3A_11 = vector.broadcast %add3A : f32 to vector<16x2048xf32>
    %add3A_12 = arith.addf %mul3A_10, %add3A_11 : vector<16x2048xf32>
    %slice3A = vector.extract_strided_slice %get3A_2 {offsets = [0, 0], sizes = [16, 1], strides = [1, 1]} : vector<16x2048xf32> to vector<16x1xf32>
    %mul3A_13 = arith.constant 0.000000e+00 : f32
    %mul3A_14 = vector.broadcast %mul3A_13 : f32 to vector<16x1xf32>
    %mul3A_15 = arith.mulf %slice3A, %mul3A_14 : vector<16x1xf32>
    %convert_element_type3A = arith.fptosi %mul3A_15 : vector<16x1xf32> to vector<16x1xi32>
    %scan3A = arith.constant 0 : i32
    %scan3A_16 = arith.constant 512 : i32
    %scan3A_17 = arith.addi %scan3A, %scan3A_16 : i32
    %scan3A_18 = arith.constant 1 : i32
    %scan3A_19:2 = scf.for %scan3A_21 = %scan3A to %scan3A_17 step %scan3A_18 iter_args(%scan3A_22 = %add3A_12, %scan3A_23 = %convert_element_type3A) -> (vector<16x2048xf32>, vector<16x1xi32>)  : i32 {
      %eq3A = vector.broadcast %scan3A_21 : i32 to vector<16x512xi32>
      %eq3A_24 = arith.cmpi eq, %iota3A_0, %eq3A : vector<16x512xi32>
      %convert_element_type3A_25 = arith.extui %eq3A_24 : vector<16x512xi1> to vector<16x512xi32>
      %get3A_26 = arith.constant 0 : index
      %get3A_27 = arith.constant 0 : index
      %get3A_28 = vector.load %arg3[%get3A_26, %get3A_27] : memref<16x512xi32, #tpu.memory_space<vmem>>, vector<16x512xi32>
      %sub3A = vector.broadcast %scan3A_23 : vector<16x1xi32> to vector<16x512xi32>
      %sub3A_29 = arith.subi %sub3A, %get3A_28 : vector<16x512xi32>
      %mul3A_30 = arith.muli %sub3A_29, %convert_element_type3A_25 : vector<16x512xi32>
      %add3A_31 = arith.addi %get3A_28, %mul3A_30 : vector<16x512xi32>
      %swap3A = arith.constant 0 : index
      %swap3A_32 = arith.constant 0 : index
      %swap3A_33 = vector.load %arg3[%swap3A, %swap3A_32] : memref<16x512xi32, #tpu.memory_space<vmem>>, vector<16x512xi32>
      tpu.vector_store %arg3[%swap3A, %swap3A_32], %add3A_31 {strides = array<i32>} : memref<16x512xi32, #tpu.memory_space<vmem>>, vector<16x512xi32>,
      %eq3A_34 = vector.broadcast %scan3A_23 : vector<16x1xi32> to vector<16x2048xi32>
      %eq3A_35 = arith.cmpi eq, %iota3A, %eq3A_34 : vector<16x2048xi32>
      %jit3A = arith.constant 0.000000e+00 : f32
      %broadcast_in_dim3A = vector.broadcast %jit3A : f32 to vector<16x2048xf32>
      %select_n3A = arith.select %eq3A_35, %get3A_2, %broadcast_in_dim3A : vector<16x2048xi1>, vector<16x2048xf32>
      %reduce_sum3A = arith.constant dense<0.000000e+00> : vector<16xf32>
      %reduce_sum3A_36 = vector.multi_reduction <add>, %select_n3A, %reduce_sum3A [1] : vector<16x2048xf32> to vector<16xf32>
      %broadcast_in_dim3A_37 = vector.shape_cast %reduce_sum3A_36 : vector<16xf32> to vector<16x1xf32>
      %jit3A_38 = arith.constant 0.000000e+00 : f32
      %broadcast_in_dim3A_39 = vector.broadcast %jit3A_38 : f32 to vector<16x2048xf32>
      %select_n3A_40 = arith.select %eq3A_35, %get3A_5, %broadcast_in_dim3A_39 : vector<16x2048xi1>, vector<16x2048xf32>
      %reduce_sum3A_41 = arith.constant dense<0.000000e+00> : vector<16xf32>
      %reduce_sum3A_42 = vector.multi_reduction <add>, %select_n3A_40, %reduce_sum3A_41 [1] : vector<16x2048xf32> to vector<16xf32>
      %broadcast_in_dim3A_43 = vector.shape_cast %reduce_sum3A_42 : vector<16xf32> to vector<16x1xf32>
      %jit3A_44 = arith.constant 0.000000e+00 : f32
      %broadcast_in_dim3A_45 = vector.broadcast %jit3A_44 : f32 to vector<16x2048xf32>
      %select_n3A_46 = arith.select %eq3A_35, %get3A_8, %broadcast_in_dim3A_45 : vector<16x2048xi1>, vector<16x2048xf32>
      %reduce_sum3A_47 = arith.constant dense<0.000000e+00> : vector<16xf32>
      %reduce_sum3A_48 = vector.multi_reduction <add>, %select_n3A_46, %reduce_sum3A_47 [1] : vector<16x2048xf32> to vector<16xf32>
      %broadcast_in_dim3A_49 = vector.shape_cast %reduce_sum3A_48 : vector<16xf32> to vector<16x1xf32>
      %sub3A_50 = vector.broadcast %broadcast_in_dim3A_37 : vector<16x1xf32> to vector<16x2048xf32>
      %sub3A_51 = arith.subf %get3A_2, %sub3A_50 : vector<16x2048xf32>
      %sub3A_52 = vector.broadcast %broadcast_in_dim3A_43 : vector<16x1xf32> to vector<16x2048xf32>
      %sub3A_53 = arith.subf %get3A_5, %sub3A_52 : vector<16x2048xf32>
      %sub3A_54 = vector.broadcast %broadcast_in_dim3A_49 : vector<16x1xf32> to vector<16x2048xf32>
      %sub3A_55 = arith.subf %get3A_8, %sub3A_54 : vector<16x2048xf32>
      %mul3A_56 = arith.mulf %sub3A_51, %sub3A_51 : vector<16x2048xf32>
      %mul3A_57 = arith.mulf %sub3A_53, %sub3A_53 : vector<16x2048xf32>
      %add3A_58 = arith.addf %mul3A_56, %mul3A_57 : vector<16x2048xf32>
      %mul3A_59 = arith.mulf %sub3A_55, %sub3A_55 : vector<16x2048xf32>
      %add3A_60 = arith.addf %add3A_58, %mul3A_59 : vector<16x2048xf32>
      %min3A = arith.minimumf %scan3A_22, %add3A_60 : vector<16x2048xf32>
      %reduce_max3A = arith.constant dense<0xFF800000> : vector<16xf32>
      %reduce_max3A_61 = vector.multi_reduction <maximumf>, %min3A, %reduce_max3A [1] : vector<16x2048xf32> to vector<16xf32>
      %broadcast_in_dim3A_62 = vector.shape_cast %reduce_max3A_61 : vector<16xf32> to vector<16x1xf32>
      %eq3A_63 = vector.broadcast %broadcast_in_dim3A_62 : vector<16x1xf32> to vector<16x2048xf32>
      %eq3A_64 = arith.cmpf oeq, %min3A, %eq3A_63 : vector<16x2048xf32>
      %jit3A_65 = arith.constant 2048 : i32
      %broadcast_in_dim3A_66 = vector.broadcast %jit3A_65 : i32 to vector<16x2048xi32>
      %select_n3A_67 = arith.select %eq3A_64, %iota3A, %broadcast_in_dim3A_66 : vector<16x2048xi1>, vector<16x2048xi32>
      %reduce_min3A = arith.constant dense<2147483647> : vector<16xi32>
      %reduce_min3A_68 = vector.multi_reduction <minsi>, %select_n3A_67, %reduce_min3A [1] : vector<16x2048xi32> to vector<16xi32>
      %broadcast_in_dim3A_69 = vector.shape_cast %reduce_min3A_68 : vector<16xi32> to vector<16x1xi32>
      scf.yield %min3A, %broadcast_in_dim3A_69 : vector<16x2048xf32>, vector<16x1xi32>
    }
    %scan3A_20 = arith.constant 512 : i32
    return
  }
}

module attributes {stable_mosaic.version = 14 : i64} {
  func.func @_ballq_body(%arg0: i32, %arg1: memref<1x512x3xf32, #tpu.memory_space<vmem>>, %arg2: memref<1x3x2048xf32, #tpu.memory_space<vmem>>, %arg3: memref<1x512x32xi32, #tpu.memory_space<vmem>>) attributes {dimension_semantics = [#tpu.dimension_semantics<arbitrary>], iteration_bounds = array<i64: 16>, scalar_prefetch = 0 : i64, scratch_operands = 0 : i64, tpu.core_type = #tpu.core_type<tc>, window_params = [{transform_indices = @transform_0, window_bounds = array<i64: 1, 512, 3>}, {transform_indices = @transform_1, window_bounds = array<i64: 1, 3, 2048>}, {transform_indices = @transform_2, window_bounds = array<i64: 1, 512, 32>}]} {
    %get3A = arith.constant 0 : index
    %get3A_0 = arith.constant 0 : index
    %get3A_1 = arith.constant 0 : index
    %get3A_2 = vector.load %arg1[%get3A, %get3A_0, %get3A_1] : memref<1x512x3xf32, #tpu.memory_space<vmem>>, vector<1x512x3xf32>
    %get3A_3 = vector.shape_cast %get3A_2 : vector<1x512x3xf32> to vector<512x3xf32>
    %get3A_4 = arith.constant 0 : index
    %get3A_5 = arith.constant 0 : index
    %get3A_6 = arith.constant 0 : index
    %get3A_7 = vector.load %arg2[%get3A_4, %get3A_5, %get3A_6] : memref<1x3x2048xf32, #tpu.memory_space<vmem>>, vector<1x3x2048xf32>
    %get3A_8 = vector.shape_cast %get3A_7 : vector<1x3x2048xf32> to vector<3x2048xf32>
    %slice3A = vector.extract_strided_slice %get3A_3 {offsets = [0, 0], sizes = [512, 1], strides = [1, 1]} : vector<512x3xf32> to vector<512x1xf32>
    %slice3A_9 = vector.extract_strided_slice %get3A_3 {offsets = [0, 1], sizes = [512, 1], strides = [1, 1]} : vector<512x3xf32> to vector<512x1xf32>
    %slice3A_10 = vector.extract_strided_slice %get3A_3 {offsets = [0, 2], sizes = [512, 1], strides = [1, 1]} : vector<512x3xf32> to vector<512x1xf32>
    %mul3A = arith.mulf %slice3A, %slice3A : vector<512x1xf32>
    %mul3A_11 = arith.mulf %slice3A_9, %slice3A_9 : vector<512x1xf32>
    %add3A = arith.addf %mul3A, %mul3A_11 : vector<512x1xf32>
    %mul3A_12 = arith.mulf %slice3A_10, %slice3A_10 : vector<512x1xf32>
    %add3A_13 = arith.addf %add3A, %mul3A_12 : vector<512x1xf32>
    %slice3A_14 = vector.extract_strided_slice %get3A_8 {offsets = [0, 0], sizes = [1, 2048], strides = [1, 1]} : vector<3x2048xf32> to vector<1x2048xf32>
    %slice3A_15 = vector.extract_strided_slice %get3A_8 {offsets = [1, 0], sizes = [1, 2048], strides = [1, 1]} : vector<3x2048xf32> to vector<1x2048xf32>
    %slice3A_16 = vector.extract_strided_slice %get3A_8 {offsets = [2, 0], sizes = [1, 2048], strides = [1, 1]} : vector<3x2048xf32> to vector<1x2048xf32>
    %mul3A_17 = arith.mulf %slice3A_14, %slice3A_14 : vector<1x2048xf32>
    %mul3A_18 = arith.mulf %slice3A_15, %slice3A_15 : vector<1x2048xf32>
    %add3A_19 = arith.addf %mul3A_17, %mul3A_18 : vector<1x2048xf32>
    %mul3A_20 = arith.mulf %slice3A_16, %slice3A_16 : vector<1x2048xf32>
    %add3A_21 = arith.addf %add3A_19, %mul3A_20 : vector<1x2048xf32>
    %dot_general3A = arith.constant dense<0.000000e+00> : vector<512x2048xf32>
    %dot_general3A_22 = tpu.matmul %get3A_3, %get3A_8, %dot_general3A {dimension_numbers = #tpu.dot_dimension_numbers<[1], [0], [0], [1], [0, 0, 1, 1], [], []>, transpose_lhs_hint = false} : vector<512x3xf32>, vector<3x2048xf32>, vector<512x2048xf32> -> vector<512x2048xf32>
    %add3A_23 = vector.broadcast %add3A_13 : vector<512x1xf32> to vector<512x2048xf32>
    %add3A_24 = vector.broadcast %add3A_21 : vector<1x2048xf32> to vector<512x2048xf32>
    %add3A_25 = arith.addf %add3A_23, %add3A_24 : vector<512x2048xf32>
    %mul3A_26 = arith.constant 2.000000e+00 : f32
    %mul3A_27 = vector.broadcast %mul3A_26 : f32 to vector<512x2048xf32>
    %mul3A_28 = arith.mulf %mul3A_27, %dot_general3A_22 : vector<512x2048xf32>
    %sub3A = arith.subf %add3A_25, %mul3A_28 : vector<512x2048xf32>
    %iota3A = tpu.iota {dimensions = array<i32: 1>} : vector<512x2048xi32>
    %iota3A_29 = tpu.iota {dimensions = array<i32: 1>} : vector<512x32xi32>
    %gt3A = arith.constant 4.000000e-02 : f32
    %gt3A_30 = vector.broadcast %gt3A : f32 to vector<512x2048xf32>
    %gt3A_31 = arith.cmpf ogt, %sub3A, %gt3A_30 : vector<512x2048xf32>
    %jit3A = arith.constant 2048 : i32
    %broadcast_in_dim3A = vector.broadcast %jit3A : i32 to vector<512x2048xi32>
    %select_n3A = arith.select %gt3A_31, %broadcast_in_dim3A, %iota3A : vector<512x2048xi1>, vector<512x2048xi32>
    %reduce_min3A = arith.constant dense<2147483647> : vector<512xi32>
    %reduce_min3A_32 = vector.multi_reduction <minsi>, %select_n3A, %reduce_min3A [1] : vector<512x2048xi32> to vector<512xi32>
    %broadcast_in_dim3A_33 = vector.shape_cast %reduce_min3A_32 : vector<512xi32> to vector<512x1xi32>
    %slice3A_34 = vector.extract_strided_slice %get3A_3 {offsets = [0, 0], sizes = [512, 1], strides = [1, 1]} : vector<512x3xf32> to vector<512x1xf32>
    %mul3A_35 = arith.constant 0.000000e+00 : f32
    %mul3A_36 = vector.broadcast %mul3A_35 : f32 to vector<512x1xf32>
    %mul3A_37 = arith.mulf %slice3A_34, %mul3A_36 : vector<512x1xf32>
    %convert_element_type3A = arith.fptosi %mul3A_37 : vector<512x1xf32> to vector<512x1xi32>
    %sub3A_38 = arith.constant 1 : i32
    %sub3A_39 = vector.broadcast %sub3A_38 : i32 to vector<512x1xi32>
    %sub3A_40 = arith.subi %convert_element_type3A, %sub3A_39 : vector<512x1xi32>
    %scan3A = arith.constant 0 : i32
    %scan3A_41 = arith.constant 32 : i32
    %scan3A_42 = arith.addi %scan3A, %scan3A_41 : i32
    %scan3A_43 = arith.constant 1 : i32
    %scan3A_44 = scf.for %scan3A_46 = %scan3A to %scan3A_42 step %scan3A_43 iter_args(%scan3A_47 = %sub3A_40) -> (vector<512x1xi32>)  : i32 {
      %gt3A_48 = vector.broadcast %scan3A_47 : vector<512x1xi32> to vector<512x2048xi32>
      %gt3A_49 = arith.cmpi sgt, %select_n3A, %gt3A_48 : vector<512x2048xi32>
      %jit3A_50 = arith.constant 2048 : i32
      %broadcast_in_dim3A_51 = vector.broadcast %jit3A_50 : i32 to vector<512x2048xi32>
      %select_n3A_52 = arith.select %gt3A_49, %select_n3A, %broadcast_in_dim3A_51 : vector<512x2048xi1>, vector<512x2048xi32>
      %reduce_min3A_53 = arith.constant dense<2147483647> : vector<512xi32>
      %reduce_min3A_54 = vector.multi_reduction <minsi>, %select_n3A_52, %reduce_min3A_53 [1] : vector<512x2048xi32> to vector<512xi32>
      %broadcast_in_dim3A_55 = vector.shape_cast %reduce_min3A_54 : vector<512xi32> to vector<512x1xi32>
      %eq3A = arith.constant 2048 : i32
      %eq3A_56 = vector.broadcast %eq3A : i32 to vector<512x1xi32>
      %eq3A_57 = arith.cmpi eq, %broadcast_in_dim3A_55, %eq3A_56 : vector<512x1xi32>
      %select_n3A_58 = arith.select %eq3A_57, %broadcast_in_dim3A_33, %broadcast_in_dim3A_55 : vector<512x1xi1>, vector<512x1xi32>
      %eq3A_59 = vector.broadcast %scan3A_46 : i32 to vector<512x32xi32>
      %eq3A_60 = arith.cmpi eq, %iota3A_29, %eq3A_59 : vector<512x32xi32>
      %convert_element_type3A_61 = arith.extui %eq3A_60 : vector<512x32xi1> to vector<512x32xi32>
      %get3A_62 = arith.constant 0 : index
      %get3A_63 = arith.constant 0 : index
      %get3A_64 = arith.constant 0 : index
      %get3A_65 = vector.load %arg3[%get3A_62, %get3A_63, %get3A_64] : memref<1x512x32xi32, #tpu.memory_space<vmem>>, vector<1x512x32xi32>
      %get3A_66 = vector.shape_cast %get3A_65 : vector<1x512x32xi32> to vector<512x32xi32>
      %sub3A_67 = vector.broadcast %select_n3A_58 : vector<512x1xi32> to vector<512x32xi32>
      %sub3A_68 = arith.subi %sub3A_67, %get3A_66 : vector<512x32xi32>
      %mul3A_69 = arith.muli %sub3A_68, %convert_element_type3A_61 : vector<512x32xi32>
      %add3A_70 = arith.addi %get3A_66, %mul3A_69 : vector<512x32xi32>
      %swap3A = arith.constant 0 : index
      %swap3A_71 = arith.constant 0 : index
      %swap3A_72 = arith.constant 0 : index
      %swap3A_73 = vector.load %arg3[%swap3A, %swap3A_71, %swap3A_72] : memref<1x512x32xi32, #tpu.memory_space<vmem>>, vector<1x512x32xi32>
      %swap3A_74 = vector.shape_cast %swap3A_73 : vector<1x512x32xi32> to vector<512x32xi32>
      %swap3A_75 = vector.shape_cast %add3A_70 : vector<512x32xi32> to vector<1x512x32xi32>
      tpu.vector_store %arg3[%swap3A, %swap3A_71, %swap3A_72], %swap3A_75 {strides = array<i32>} : memref<1x512x32xi32, #tpu.memory_space<vmem>>, vector<1x512x32xi32>,
      %eq3A_76 = arith.constant 2048 : i32
      %eq3A_77 = vector.broadcast %eq3A_76 : i32 to vector<512x1xi32>
      %eq3A_78 = arith.cmpi eq, %broadcast_in_dim3A_55, %eq3A_77 : vector<512x1xi32>
      %select_n3A_79 = arith.select %eq3A_78, %scan3A_47, %broadcast_in_dim3A_55 : vector<512x1xi1>, vector<512x1xi32>
      scf.yield %select_n3A_79 : vector<512x1xi32>
    }
    %scan3A_45 = arith.constant 32 : i32
    return
  }
  func.func @transform_0(%arg0: i32) -> (i32, i32, i32) {
    %c0_i32 = arith.constant 0 : i32
    %c0_i32_0 = arith.constant 0 : i32
    %c0_i32_1 = arith.constant 0 : i32
    return %arg0, %c0_i32, %c0_i32_0 : i32, i32, i32
  }
  func.func @transform_1(%arg0: i32) -> (i32, i32, i32) {
    %c0_i32 = arith.constant 0 : i32
    %c0_i32_0 = arith.constant 0 : i32
    %c0_i32_1 = arith.constant 0 : i32
    return %arg0, %c0_i32, %c0_i32_0 : i32, i32, i32
  }
  func.func @transform_2(%arg0: i32) -> (i32, i32, i32) {
    %c0_i32 = arith.constant 0 : i32
    %c0_i32_0 = arith.constant 0 : i32
    %c0_i32_1 = arith.constant 0 : i32
    return %arg0, %c0_i32, %c0_i32_0 : i32, i32, i32
  }
}

module attributes {stable_mosaic.version = 14 : i64} {
  func.func @_fps_body(%arg0: memref<16x512xf32, #tpu.memory_space<vmem>>, %arg1: memref<16x512xf32, #tpu.memory_space<vmem>>, %arg2: memref<16x512xf32, #tpu.memory_space<vmem>>, %arg3: memref<16x128xi32, #tpu.memory_space<vmem>>) attributes {dimension_semantics = [], scalar_prefetch = 0 : i64, scratch_operands = 0 : i64, tpu.core_type = #tpu.core_type<tc>} {
    %iota3A = tpu.iota {dimensions = array<i32: 1>} : vector<16x512xi32>
    %iota3A_0 = tpu.iota {dimensions = array<i32: 1>} : vector<16x128xi32>
    %get3A = arith.constant 0 : index
    %get3A_1 = arith.constant 0 : index
    %get3A_2 = vector.load %arg0[%get3A, %get3A_1] : memref<16x512xf32, #tpu.memory_space<vmem>>, vector<16x512xf32>
    %get3A_3 = arith.constant 0 : index
    %get3A_4 = arith.constant 0 : index
    %get3A_5 = vector.load %arg1[%get3A_3, %get3A_4] : memref<16x512xf32, #tpu.memory_space<vmem>>, vector<16x512xf32>
    %get3A_6 = arith.constant 0 : index
    %get3A_7 = arith.constant 0 : index
    %get3A_8 = vector.load %arg2[%get3A_6, %get3A_7] : memref<16x512xf32, #tpu.memory_space<vmem>>, vector<16x512xf32>
    %mul3A = arith.constant 0.000000e+00 : f32
    %mul3A_9 = vector.broadcast %mul3A : f32 to vector<16x512xf32>
    %mul3A_10 = arith.mulf %get3A_2, %mul3A_9 : vector<16x512xf32>
    %add3A = arith.constant 1.000000e+10 : f32
    %add3A_11 = vector.broadcast %add3A : f32 to vector<16x512xf32>
    %add3A_12 = arith.addf %mul3A_10, %add3A_11 : vector<16x512xf32>
    %slice3A = vector.extract_strided_slice %get3A_2 {offsets = [0, 0], sizes = [16, 1], strides = [1, 1]} : vector<16x512xf32> to vector<16x1xf32>
    %mul3A_13 = arith.constant 0.000000e+00 : f32
    %mul3A_14 = vector.broadcast %mul3A_13 : f32 to vector<16x1xf32>
    %mul3A_15 = arith.mulf %slice3A, %mul3A_14 : vector<16x1xf32>
    %convert_element_type3A = arith.fptosi %mul3A_15 : vector<16x1xf32> to vector<16x1xi32>
    %scan3A = arith.constant 0 : i32
    %scan3A_16 = arith.constant 128 : i32
    %scan3A_17 = arith.addi %scan3A, %scan3A_16 : i32
    %scan3A_18 = arith.constant 1 : i32
    %scan3A_19:2 = scf.for %scan3A_21 = %scan3A to %scan3A_17 step %scan3A_18 iter_args(%scan3A_22 = %add3A_12, %scan3A_23 = %convert_element_type3A) -> (vector<16x512xf32>, vector<16x1xi32>)  : i32 {
      %eq3A = vector.broadcast %scan3A_21 : i32 to vector<16x128xi32>
      %eq3A_24 = arith.cmpi eq, %iota3A_0, %eq3A : vector<16x128xi32>
      %convert_element_type3A_25 = arith.extui %eq3A_24 : vector<16x128xi1> to vector<16x128xi32>
      %get3A_26 = arith.constant 0 : index
      %get3A_27 = arith.constant 0 : index
      %get3A_28 = vector.load %arg3[%get3A_26, %get3A_27] : memref<16x128xi32, #tpu.memory_space<vmem>>, vector<16x128xi32>
      %sub3A = vector.broadcast %scan3A_23 : vector<16x1xi32> to vector<16x128xi32>
      %sub3A_29 = arith.subi %sub3A, %get3A_28 : vector<16x128xi32>
      %mul3A_30 = arith.muli %sub3A_29, %convert_element_type3A_25 : vector<16x128xi32>
      %add3A_31 = arith.addi %get3A_28, %mul3A_30 : vector<16x128xi32>
      %swap3A = arith.constant 0 : index
      %swap3A_32 = arith.constant 0 : index
      %swap3A_33 = vector.load %arg3[%swap3A, %swap3A_32] : memref<16x128xi32, #tpu.memory_space<vmem>>, vector<16x128xi32>
      tpu.vector_store %arg3[%swap3A, %swap3A_32], %add3A_31 {strides = array<i32>} : memref<16x128xi32, #tpu.memory_space<vmem>>, vector<16x128xi32>,
      %eq3A_34 = vector.broadcast %scan3A_23 : vector<16x1xi32> to vector<16x512xi32>
      %eq3A_35 = arith.cmpi eq, %iota3A, %eq3A_34 : vector<16x512xi32>
      %jit3A = arith.constant 0.000000e+00 : f32
      %broadcast_in_dim3A = vector.broadcast %jit3A : f32 to vector<16x512xf32>
      %select_n3A = arith.select %eq3A_35, %get3A_2, %broadcast_in_dim3A : vector<16x512xi1>, vector<16x512xf32>
      %reduce_sum3A = arith.constant dense<0.000000e+00> : vector<16xf32>
      %reduce_sum3A_36 = vector.multi_reduction <add>, %select_n3A, %reduce_sum3A [1] : vector<16x512xf32> to vector<16xf32>
      %broadcast_in_dim3A_37 = vector.shape_cast %reduce_sum3A_36 : vector<16xf32> to vector<16x1xf32>
      %jit3A_38 = arith.constant 0.000000e+00 : f32
      %broadcast_in_dim3A_39 = vector.broadcast %jit3A_38 : f32 to vector<16x512xf32>
      %select_n3A_40 = arith.select %eq3A_35, %get3A_5, %broadcast_in_dim3A_39 : vector<16x512xi1>, vector<16x512xf32>
      %reduce_sum3A_41 = arith.constant dense<0.000000e+00> : vector<16xf32>
      %reduce_sum3A_42 = vector.multi_reduction <add>, %select_n3A_40, %reduce_sum3A_41 [1] : vector<16x512xf32> to vector<16xf32>
      %broadcast_in_dim3A_43 = vector.shape_cast %reduce_sum3A_42 : vector<16xf32> to vector<16x1xf32>
      %jit3A_44 = arith.constant 0.000000e+00 : f32
      %broadcast_in_dim3A_45 = vector.broadcast %jit3A_44 : f32 to vector<16x512xf32>
      %select_n3A_46 = arith.select %eq3A_35, %get3A_8, %broadcast_in_dim3A_45 : vector<16x512xi1>, vector<16x512xf32>
      %reduce_sum3A_47 = arith.constant dense<0.000000e+00> : vector<16xf32>
      %reduce_sum3A_48 = vector.multi_reduction <add>, %select_n3A_46, %reduce_sum3A_47 [1] : vector<16x512xf32> to vector<16xf32>
      %broadcast_in_dim3A_49 = vector.shape_cast %reduce_sum3A_48 : vector<16xf32> to vector<16x1xf32>
      %sub3A_50 = vector.broadcast %broadcast_in_dim3A_37 : vector<16x1xf32> to vector<16x512xf32>
      %sub3A_51 = arith.subf %get3A_2, %sub3A_50 : vector<16x512xf32>
      %sub3A_52 = vector.broadcast %broadcast_in_dim3A_43 : vector<16x1xf32> to vector<16x512xf32>
      %sub3A_53 = arith.subf %get3A_5, %sub3A_52 : vector<16x512xf32>
      %sub3A_54 = vector.broadcast %broadcast_in_dim3A_49 : vector<16x1xf32> to vector<16x512xf32>
      %sub3A_55 = arith.subf %get3A_8, %sub3A_54 : vector<16x512xf32>
      %mul3A_56 = arith.mulf %sub3A_51, %sub3A_51 : vector<16x512xf32>
      %mul3A_57 = arith.mulf %sub3A_53, %sub3A_53 : vector<16x512xf32>
      %add3A_58 = arith.addf %mul3A_56, %mul3A_57 : vector<16x512xf32>
      %mul3A_59 = arith.mulf %sub3A_55, %sub3A_55 : vector<16x512xf32>
      %add3A_60 = arith.addf %add3A_58, %mul3A_59 : vector<16x512xf32>
      %min3A = arith.minimumf %scan3A_22, %add3A_60 : vector<16x512xf32>
      %reduce_max3A = arith.constant dense<0xFF800000> : vector<16xf32>
      %reduce_max3A_61 = vector.multi_reduction <maximumf>, %min3A, %reduce_max3A [1] : vector<16x512xf32> to vector<16xf32>
      %broadcast_in_dim3A_62 = vector.shape_cast %reduce_max3A_61 : vector<16xf32> to vector<16x1xf32>
      %eq3A_63 = vector.broadcast %broadcast_in_dim3A_62 : vector<16x1xf32> to vector<16x512xf32>
      %eq3A_64 = arith.cmpf oeq, %min3A, %eq3A_63 : vector<16x512xf32>
      %jit3A_65 = arith.constant 512 : i32
      %broadcast_in_dim3A_66 = vector.broadcast %jit3A_65 : i32 to vector<16x512xi32>
      %select_n3A_67 = arith.select %eq3A_64, %iota3A, %broadcast_in_dim3A_66 : vector<16x512xi1>, vector<16x512xi32>
      %reduce_min3A = arith.constant dense<2147483647> : vector<16xi32>
      %reduce_min3A_68 = vector.multi_reduction <minsi>, %select_n3A_67, %reduce_min3A [1] : vector<16x512xi32> to vector<16xi32>
      %broadcast_in_dim3A_69 = vector.shape_cast %reduce_min3A_68 : vector<16xi32> to vector<16x1xi32>
      scf.yield %min3A, %broadcast_in_dim3A_69 : vector<16x512xf32>, vector<16x1xi32>
    }
    %scan3A_20 = arith.constant 128 : i32
    return
  }
}

module attributes {stable_mosaic.version = 14 : i64} {
  func.func @_knn3_body(%arg0: i32, %arg1: memref<1x2048x3xf32, #tpu.memory_space<vmem>>, %arg2: memref<1x3x512xf32, #tpu.memory_space<vmem>>, %arg3: memref<1x2048x3xi32, #tpu.memory_space<vmem>>, %arg4: memref<1x2048x3xf32, #tpu.memory_space<vmem>>) attributes {dimension_semantics = [#tpu.dimension_semantics<arbitrary>], iteration_bounds = array<i64: 16>, scalar_prefetch = 0 : i64, scratch_operands = 0 : i64, tpu.core_type = #tpu.core_type<tc>, window_params = [{transform_indices = @transform_0, window_bounds = array<i64: 1, 2048, 3>}, {transform_indices = @transform_1, window_bounds = array<i64: 1, 3, 512>}, {transform_indices = @transform_2, window_bounds = array<i64: 1, 2048, 3>}, {transform_indices = @transform_3, window_bounds = array<i64: 1, 2048, 3>}]} {
    %get3A = arith.constant 0 : index
    %get3A_0 = arith.constant 0 : index
    %get3A_1 = arith.constant 0 : index
    %get3A_2 = vector.load %arg1[%get3A, %get3A_0, %get3A_1] : memref<1x2048x3xf32, #tpu.memory_space<vmem>>, vector<1x2048x3xf32>
    %get3A_3 = vector.shape_cast %get3A_2 : vector<1x2048x3xf32> to vector<2048x3xf32>
    %get3A_4 = arith.constant 0 : index
    %get3A_5 = arith.constant 0 : index
    %get3A_6 = arith.constant 0 : index
    %get3A_7 = vector.load %arg2[%get3A_4, %get3A_5, %get3A_6] : memref<1x3x512xf32, #tpu.memory_space<vmem>>, vector<1x3x512xf32>
    %get3A_8 = vector.shape_cast %get3A_7 : vector<1x3x512xf32> to vector<3x512xf32>
    %slice3A = vector.extract_strided_slice %get3A_3 {offsets = [0, 0], sizes = [2048, 1], strides = [1, 1]} : vector<2048x3xf32> to vector<2048x1xf32>
    %slice3A_9 = vector.extract_strided_slice %get3A_3 {offsets = [0, 1], sizes = [2048, 1], strides = [1, 1]} : vector<2048x3xf32> to vector<2048x1xf32>
    %slice3A_10 = vector.extract_strided_slice %get3A_3 {offsets = [0, 2], sizes = [2048, 1], strides = [1, 1]} : vector<2048x3xf32> to vector<2048x1xf32>
    %mul3A = arith.mulf %slice3A, %slice3A : vector<2048x1xf32>
    %mul3A_11 = arith.mulf %slice3A_9, %slice3A_9 : vector<2048x1xf32>
    %add3A = arith.addf %mul3A, %mul3A_11 : vector<2048x1xf32>
    %mul3A_12 = arith.mulf %slice3A_10, %slice3A_10 : vector<2048x1xf32>
    %add3A_13 = arith.addf %add3A, %mul3A_12 : vector<2048x1xf32>
    %slice3A_14 = vector.extract_strided_slice %get3A_8 {offsets = [0, 0], sizes = [1, 512], strides = [1, 1]} : vector<3x512xf32> to vector<1x512xf32>
    %slice3A_15 = vector.extract_strided_slice %get3A_8 {offsets = [1, 0], sizes = [1, 512], strides = [1, 1]} : vector<3x512xf32> to vector<1x512xf32>
    %slice3A_16 = vector.extract_strided_slice %get3A_8 {offsets = [2, 0], sizes = [1, 512], strides = [1, 1]} : vector<3x512xf32> to vector<1x512xf32>
    %mul3A_17 = arith.mulf %slice3A_14, %slice3A_14 : vector<1x512xf32>
    %mul3A_18 = arith.mulf %slice3A_15, %slice3A_15 : vector<1x512xf32>
    %add3A_19 = arith.addf %mul3A_17, %mul3A_18 : vector<1x512xf32>
    %mul3A_20 = arith.mulf %slice3A_16, %slice3A_16 : vector<1x512xf32>
    %add3A_21 = arith.addf %add3A_19, %mul3A_20 : vector<1x512xf32>
    %dot_general3A = arith.constant dense<0.000000e+00> : vector<2048x512xf32>
    %dot_general3A_22 = tpu.matmul %get3A_3, %get3A_8, %dot_general3A {dimension_numbers = #tpu.dot_dimension_numbers<[1], [0], [0], [1], [0, 0, 1, 1], [], []>, transpose_lhs_hint = false} : vector<2048x3xf32>, vector<3x512xf32>, vector<2048x512xf32> -> vector<2048x512xf32>
    %add3A_23 = vector.broadcast %add3A_13 : vector<2048x1xf32> to vector<2048x512xf32>
    %add3A_24 = vector.broadcast %add3A_21 : vector<1x512xf32> to vector<2048x512xf32>
    %add3A_25 = arith.addf %add3A_23, %add3A_24 : vector<2048x512xf32>
    %mul3A_26 = arith.constant 2.000000e+00 : f32
    %mul3A_27 = vector.broadcast %mul3A_26 : f32 to vector<2048x512xf32>
    %mul3A_28 = arith.mulf %mul3A_27, %dot_general3A_22 : vector<2048x512xf32>
    %sub3A = arith.subf %add3A_25, %mul3A_28 : vector<2048x512xf32>
    %iota3A = tpu.iota {dimensions = array<i32: 1>} : vector<2048x512xi32>
    %reduce_min3A = arith.constant dense<0x7F800000> : vector<2048xf32>
    %reduce_min3A_29 = vector.multi_reduction <minimumf>, %sub3A, %reduce_min3A [1] : vector<2048x512xf32> to vector<2048xf32>
    %broadcast_in_dim3A = vector.shape_cast %reduce_min3A_29 : vector<2048xf32> to vector<2048x1xf32>
    %eq3A = vector.broadcast %broadcast_in_dim3A : vector<2048x1xf32> to vector<2048x512xf32>
    %eq3A_30 = arith.cmpf oeq, %sub3A, %eq3A : vector<2048x512xf32>
    %jit3A = arith.constant 512 : i32
    %broadcast_in_dim3A_31 = vector.broadcast %jit3A : i32 to vector<2048x512xi32>
    %select_n3A = arith.select %eq3A_30, %iota3A, %broadcast_in_dim3A_31 : vector<2048x512xi1>, vector<2048x512xi32>
    %reduce_min3A_32 = arith.constant dense<2147483647> : vector<2048xi32>
    %reduce_min3A_33 = vector.multi_reduction <minsi>, %select_n3A, %reduce_min3A_32 [1] : vector<2048x512xi32> to vector<2048xi32>
    %broadcast_in_dim3A_34 = vector.shape_cast %reduce_min3A_33 : vector<2048xi32> to vector<2048x1xi32>
    %eq3A_35 = vector.broadcast %broadcast_in_dim3A_34 : vector<2048x1xi32> to vector<2048x512xi32>
    %eq3A_36 = arith.cmpi eq, %iota3A, %eq3A_35 : vector<2048x512xi32>
    %jit3A_37 = arith.constant 1.000000e+10 : f32
    %broadcast_in_dim3A_38 = vector.broadcast %jit3A_37 : f32 to vector<2048x512xf32>
    %select_n3A_39 = arith.select %eq3A_36, %broadcast_in_dim3A_38, %sub3A : vector<2048x512xi1>, vector<2048x512xf32>
    %reduce_min3A_40 = arith.constant dense<0x7F800000> : vector<2048xf32>
    %reduce_min3A_41 = vector.multi_reduction <minimumf>, %select_n3A_39, %reduce_min3A_40 [1] : vector<2048x512xf32> to vector<2048xf32>
    %broadcast_in_dim3A_42 = vector.shape_cast %reduce_min3A_41 : vector<2048xf32> to vector<2048x1xf32>
    %eq3A_43 = vector.broadcast %broadcast_in_dim3A_42 : vector<2048x1xf32> to vector<2048x512xf32>
    %eq3A_44 = arith.cmpf oeq, %select_n3A_39, %eq3A_43 : vector<2048x512xf32>
    %jit3A_45 = arith.constant 512 : i32
    %broadcast_in_dim3A_46 = vector.broadcast %jit3A_45 : i32 to vector<2048x512xi32>
    %select_n3A_47 = arith.select %eq3A_44, %iota3A, %broadcast_in_dim3A_46 : vector<2048x512xi1>, vector<2048x512xi32>
    %reduce_min3A_48 = arith.constant dense<2147483647> : vector<2048xi32>
    %reduce_min3A_49 = vector.multi_reduction <minsi>, %select_n3A_47, %reduce_min3A_48 [1] : vector<2048x512xi32> to vector<2048xi32>
    %broadcast_in_dim3A_50 = vector.shape_cast %reduce_min3A_49 : vector<2048xi32> to vector<2048x1xi32>
    %eq3A_51 = vector.broadcast %broadcast_in_dim3A_50 : vector<2048x1xi32> to vector<2048x512xi32>
    %eq3A_52 = arith.cmpi eq, %iota3A, %eq3A_51 : vector<2048x512xi32>
    %jit3A_53 = arith.constant 1.000000e+10 : f32
    %broadcast_in_dim3A_54 = vector.broadcast %jit3A_53 : f32 to vector<2048x512xf32>
    %select_n3A_55 = arith.select %eq3A_52, %broadcast_in_dim3A_54, %select_n3A_39 : vector<2048x512xi1>, vector<2048x512xf32>
    %reduce_min3A_56 = arith.constant dense<0x7F800000> : vector<2048xf32>
    %reduce_min3A_57 = vector.multi_reduction <minimumf>, %select_n3A_55, %reduce_min3A_56 [1] : vector<2048x512xf32> to vector<2048xf32>
    %broadcast_in_dim3A_58 = vector.shape_cast %reduce_min3A_57 : vector<2048xf32> to vector<2048x1xf32>
    %eq3A_59 = vector.broadcast %broadcast_in_dim3A_58 : vector<2048x1xf32> to vector<2048x512xf32>
    %eq3A_60 = arith.cmpf oeq, %select_n3A_55, %eq3A_59 : vector<2048x512xf32>
    %jit3A_61 = arith.constant 512 : i32
    %broadcast_in_dim3A_62 = vector.broadcast %jit3A_61 : i32 to vector<2048x512xi32>
    %select_n3A_63 = arith.select %eq3A_60, %iota3A, %broadcast_in_dim3A_62 : vector<2048x512xi1>, vector<2048x512xi32>
    %reduce_min3A_64 = arith.constant dense<2147483647> : vector<2048xi32>
    %reduce_min3A_65 = vector.multi_reduction <minsi>, %select_n3A_63, %reduce_min3A_64 [1] : vector<2048x512xi32> to vector<2048xi32>
    %broadcast_in_dim3A_66 = vector.shape_cast %reduce_min3A_65 : vector<2048xi32> to vector<2048x1xi32>
    %add3A_67 = arith.constant 9.99999993E-9 : f32
    %add3A_68 = vector.broadcast %add3A_67 : f32 to vector<2048x1xf32>
    %add3A_69 = arith.addf %broadcast_in_dim3A, %add3A_68 : vector<2048x1xf32>
    %div3A = arith.constant 1.000000e+00 : f32
    %div3A_70 = vector.broadcast %div3A : f32 to vector<2048x1xf32>
    %div3A_71 = arith.divf %div3A_70, %add3A_69 : vector<2048x1xf32>
    %add3A_72 = arith.constant 9.99999993E-9 : f32
    %add3A_73 = vector.broadcast %add3A_72 : f32 to vector<2048x1xf32>
    %add3A_74 = arith.addf %broadcast_in_dim3A_42, %add3A_73 : vector<2048x1xf32>
    %div3A_75 = arith.constant 1.000000e+00 : f32
    %div3A_76 = vector.broadcast %div3A_75 : f32 to vector<2048x1xf32>
    %div3A_77 = arith.divf %div3A_76, %add3A_74 : vector<2048x1xf32>
    %add3A_78 = arith.constant 9.99999993E-9 : f32
    %add3A_79 = vector.broadcast %add3A_78 : f32 to vector<2048x1xf32>
    %add3A_80 = arith.addf %broadcast_in_dim3A_58, %add3A_79 : vector<2048x1xf32>
    %div3A_81 = arith.constant 1.000000e+00 : f32
    %div3A_82 = vector.broadcast %div3A_81 : f32 to vector<2048x1xf32>
    %div3A_83 = arith.divf %div3A_82, %add3A_80 : vector<2048x1xf32>
    %add3A_84 = arith.addf %div3A_71, %div3A_77 : vector<2048x1xf32>
    %add3A_85 = arith.addf %add3A_84, %div3A_83 : vector<2048x1xf32>
    %concatenate3A = tpu.concatenate %broadcast_in_dim3A_34, %broadcast_in_dim3A_50, %broadcast_in_dim3A_66 in 1 : vector<2048x1xi32>, vector<2048x1xi32>, vector<2048x1xi32> -> vector<2048x3xi32>
    %swap3A = arith.constant 0 : index
    %swap3A_86 = arith.constant 0 : index
    %swap3A_87 = arith.constant 0 : index
    %swap3A_88 = vector.load %arg3[%swap3A, %swap3A_86, %swap3A_87] : memref<1x2048x3xi32, #tpu.memory_space<vmem>>, vector<1x2048x3xi32>
    %swap3A_89 = vector.shape_cast %swap3A_88 : vector<1x2048x3xi32> to vector<2048x3xi32>
    %swap3A_90 = vector.shape_cast %concatenate3A : vector<2048x3xi32> to vector<1x2048x3xi32>
    tpu.vector_store %arg3[%swap3A, %swap3A_86, %swap3A_87], %swap3A_90 {strides = array<i32>} : memref<1x2048x3xi32, #tpu.memory_space<vmem>>, vector<1x2048x3xi32>,
    %div3A_91 = arith.divf %div3A_71, %add3A_85 : vector<2048x1xf32>
    %div3A_92 = arith.divf %div3A_77, %add3A_85 : vector<2048x1xf32>
    %div3A_93 = arith.divf %div3A_83, %add3A_85 : vector<2048x1xf32>
    %concatenate3A_94 = tpu.concatenate %div3A_91, %div3A_92, %div3A_93 in 1 : vector<2048x1xf32>, vector<2048x1xf32>, vector<2048x1xf32> -> vector<2048x3xf32>
    %swap3A_95 = arith.constant 0 : index
    %swap3A_96 = arith.constant 0 : index
    %swap3A_97 = arith.constant 0 : index
    %swap3A_98 = vector.load %arg4[%swap3A_95, %swap3A_96, %swap3A_97] : memref<1x2048x3xf32, #tpu.memory_space<vmem>>, vector<1x2048x3xf32>
    %swap3A_99 = vector.shape_cast %swap3A_98 : vector<1x2048x3xf32> to vector<2048x3xf32>
    %swap3A_100 = vector.shape_cast %concatenate3A_94 : vector<2048x3xf32> to vector<1x2048x3xf32>
    tpu.vector_store %arg4[%swap3A_95, %swap3A_96, %swap3A_97], %swap3A_100 {strides = array<i32>} : memref<1x2048x3xf32, #tpu.memory_space<vmem>>, vector<1x2048x3xf32>,
    return
  }
  func.func @transform_0(%arg0: i32) -> (i32, i32, i32) {
    %c0_i32 = arith.constant 0 : i32
    %c0_i32_0 = arith.constant 0 : i32
    %c0_i32_1 = arith.constant 0 : i32
    return %arg0, %c0_i32, %c0_i32_0 : i32, i32, i32
  }
  func.func @transform_1(%arg0: i32) -> (i32, i32, i32) {
    %c0_i32 = arith.constant 0 : i32
    %c0_i32_0 = arith.constant 0 : i32
    %c0_i32_1 = arith.constant 0 : i32
    return %arg0, %c0_i32, %c0_i32_0 : i32, i32, i32
  }
  func.func @transform_2(%arg0: i32) -> (i32, i32, i32) {
    %c0_i32 = arith.constant 0 : i32
    %c0_i32_0 = arith.constant 0 : i32
    %c0_i32_1 = arith.constant 0 : i32
    return %arg0, %c0_i32, %c0_i32_0 : i32, i32, i32
  }
  func.func @transform_3(%arg0: i32) -> (i32, i32, i32) {
    %c0_i32 = arith.constant 0 : i32
    %c0_i32_0 = arith.constant 0 : i32
    %c0_i32_1 = arith.constant 0 : i32
    return %arg0, %c0_i32, %c0_i32_0 : i32, i32, i32
  }
}

module attributes {stable_mosaic.version = 14 : i64} {
  func.func @_ballq_body(%arg0: i32, %arg1: memref<1x128x3xf32, #tpu.memory_space<vmem>>, %arg2: memref<1x3x512xf32, #tpu.memory_space<vmem>>, %arg3: memref<1x128x64xi32, #tpu.memory_space<vmem>>) attributes {dimension_semantics = [#tpu.dimension_semantics<arbitrary>], iteration_bounds = array<i64: 16>, scalar_prefetch = 0 : i64, scratch_operands = 0 : i64, tpu.core_type = #tpu.core_type<tc>, window_params = [{transform_indices = @transform_0, window_bounds = array<i64: 1, 128, 3>}, {transform_indices = @transform_1, window_bounds = array<i64: 1, 3, 512>}, {transform_indices = @transform_2, window_bounds = array<i64: 1, 128, 64>}]} {
    %get3A = arith.constant 0 : index
    %get3A_0 = arith.constant 0 : index
    %get3A_1 = arith.constant 0 : index
    %get3A_2 = vector.load %arg1[%get3A, %get3A_0, %get3A_1] : memref<1x128x3xf32, #tpu.memory_space<vmem>>, vector<1x128x3xf32>
    %get3A_3 = vector.shape_cast %get3A_2 : vector<1x128x3xf32> to vector<128x3xf32>
    %get3A_4 = arith.constant 0 : index
    %get3A_5 = arith.constant 0 : index
    %get3A_6 = arith.constant 0 : index
    %get3A_7 = vector.load %arg2[%get3A_4, %get3A_5, %get3A_6] : memref<1x3x512xf32, #tpu.memory_space<vmem>>, vector<1x3x512xf32>
    %get3A_8 = vector.shape_cast %get3A_7 : vector<1x3x512xf32> to vector<3x512xf32>
    %slice3A = vector.extract_strided_slice %get3A_3 {offsets = [0, 0], sizes = [128, 1], strides = [1, 1]} : vector<128x3xf32> to vector<128x1xf32>
    %slice3A_9 = vector.extract_strided_slice %get3A_3 {offsets = [0, 1], sizes = [128, 1], strides = [1, 1]} : vector<128x3xf32> to vector<128x1xf32>
    %slice3A_10 = vector.extract_strided_slice %get3A_3 {offsets = [0, 2], sizes = [128, 1], strides = [1, 1]} : vector<128x3xf32> to vector<128x1xf32>
    %mul3A = arith.mulf %slice3A, %slice3A : vector<128x1xf32>
    %mul3A_11 = arith.mulf %slice3A_9, %slice3A_9 : vector<128x1xf32>
    %add3A = arith.addf %mul3A, %mul3A_11 : vector<128x1xf32>
    %mul3A_12 = arith.mulf %slice3A_10, %slice3A_10 : vector<128x1xf32>
    %add3A_13 = arith.addf %add3A, %mul3A_12 : vector<128x1xf32>
    %slice3A_14 = vector.extract_strided_slice %get3A_8 {offsets = [0, 0], sizes = [1, 512], strides = [1, 1]} : vector<3x512xf32> to vector<1x512xf32>
    %slice3A_15 = vector.extract_strided_slice %get3A_8 {offsets = [1, 0], sizes = [1, 512], strides = [1, 1]} : vector<3x512xf32> to vector<1x512xf32>
    %slice3A_16 = vector.extract_strided_slice %get3A_8 {offsets = [2, 0], sizes = [1, 512], strides = [1, 1]} : vector<3x512xf32> to vector<1x512xf32>
    %mul3A_17 = arith.mulf %slice3A_14, %slice3A_14 : vector<1x512xf32>
    %mul3A_18 = arith.mulf %slice3A_15, %slice3A_15 : vector<1x512xf32>
    %add3A_19 = arith.addf %mul3A_17, %mul3A_18 : vector<1x512xf32>
    %mul3A_20 = arith.mulf %slice3A_16, %slice3A_16 : vector<1x512xf32>
    %add3A_21 = arith.addf %add3A_19, %mul3A_20 : vector<1x512xf32>
    %dot_general3A = arith.constant dense<0.000000e+00> : vector<128x512xf32>
    %dot_general3A_22 = tpu.matmul %get3A_3, %get3A_8, %dot_general3A {dimension_numbers = #tpu.dot_dimension_numbers<[1], [0], [0], [1], [0, 0, 1, 1], [], []>, transpose_lhs_hint = false} : vector<128x3xf32>, vector<3x512xf32>, vector<128x512xf32> -> vector<128x512xf32>
    %add3A_23 = vector.broadcast %add3A_13 : vector<128x1xf32> to vector<128x512xf32>
    %add3A_24 = vector.broadcast %add3A_21 : vector<1x512xf32> to vector<128x512xf32>
    %add3A_25 = arith.addf %add3A_23, %add3A_24 : vector<128x512xf32>
    %mul3A_26 = arith.constant 2.000000e+00 : f32
    %mul3A_27 = vector.broadcast %mul3A_26 : f32 to vector<128x512xf32>
    %mul3A_28 = arith.mulf %mul3A_27, %dot_general3A_22 : vector<128x512xf32>
    %sub3A = arith.subf %add3A_25, %mul3A_28 : vector<128x512xf32>
    %iota3A = tpu.iota {dimensions = array<i32: 1>} : vector<128x512xi32>
    %iota3A_29 = tpu.iota {dimensions = array<i32: 1>} : vector<128x64xi32>
    %gt3A = arith.constant 1.600000e-01 : f32
    %gt3A_30 = vector.broadcast %gt3A : f32 to vector<128x512xf32>
    %gt3A_31 = arith.cmpf ogt, %sub3A, %gt3A_30 : vector<128x512xf32>
    %jit3A = arith.constant 512 : i32
    %broadcast_in_dim3A = vector.broadcast %jit3A : i32 to vector<128x512xi32>
    %select_n3A = arith.select %gt3A_31, %broadcast_in_dim3A, %iota3A : vector<128x512xi1>, vector<128x512xi32>
    %reduce_min3A = arith.constant dense<2147483647> : vector<128xi32>
    %reduce_min3A_32 = vector.multi_reduction <minsi>, %select_n3A, %reduce_min3A [1] : vector<128x512xi32> to vector<128xi32>
    %broadcast_in_dim3A_33 = vector.shape_cast %reduce_min3A_32 : vector<128xi32> to vector<128x1xi32>
    %slice3A_34 = vector.extract_strided_slice %get3A_3 {offsets = [0, 0], sizes = [128, 1], strides = [1, 1]} : vector<128x3xf32> to vector<128x1xf32>
    %mul3A_35 = arith.constant 0.000000e+00 : f32
    %mul3A_36 = vector.broadcast %mul3A_35 : f32 to vector<128x1xf32>
    %mul3A_37 = arith.mulf %slice3A_34, %mul3A_36 : vector<128x1xf32>
    %convert_element_type3A = arith.fptosi %mul3A_37 : vector<128x1xf32> to vector<128x1xi32>
    %sub3A_38 = arith.constant 1 : i32
    %sub3A_39 = vector.broadcast %sub3A_38 : i32 to vector<128x1xi32>
    %sub3A_40 = arith.subi %convert_element_type3A, %sub3A_39 : vector<128x1xi32>
    %scan3A = arith.constant 0 : i32
    %scan3A_41 = arith.constant 64 : i32
    %scan3A_42 = arith.addi %scan3A, %scan3A_41 : i32
    %scan3A_43 = arith.constant 1 : i32
    %scan3A_44 = scf.for %scan3A_46 = %scan3A to %scan3A_42 step %scan3A_43 iter_args(%scan3A_47 = %sub3A_40) -> (vector<128x1xi32>)  : i32 {
      %gt3A_48 = vector.broadcast %scan3A_47 : vector<128x1xi32> to vector<128x512xi32>
      %gt3A_49 = arith.cmpi sgt, %select_n3A, %gt3A_48 : vector<128x512xi32>
      %jit3A_50 = arith.constant 512 : i32
      %broadcast_in_dim3A_51 = vector.broadcast %jit3A_50 : i32 to vector<128x512xi32>
      %select_n3A_52 = arith.select %gt3A_49, %select_n3A, %broadcast_in_dim3A_51 : vector<128x512xi1>, vector<128x512xi32>
      %reduce_min3A_53 = arith.constant dense<2147483647> : vector<128xi32>
      %reduce_min3A_54 = vector.multi_reduction <minsi>, %select_n3A_52, %reduce_min3A_53 [1] : vector<128x512xi32> to vector<128xi32>
      %broadcast_in_dim3A_55 = vector.shape_cast %reduce_min3A_54 : vector<128xi32> to vector<128x1xi32>
      %eq3A = arith.constant 512 : i32
      %eq3A_56 = vector.broadcast %eq3A : i32 to vector<128x1xi32>
      %eq3A_57 = arith.cmpi eq, %broadcast_in_dim3A_55, %eq3A_56 : vector<128x1xi32>
      %select_n3A_58 = arith.select %eq3A_57, %broadcast_in_dim3A_33, %broadcast_in_dim3A_55 : vector<128x1xi1>, vector<128x1xi32>
      %eq3A_59 = vector.broadcast %scan3A_46 : i32 to vector<128x64xi32>
      %eq3A_60 = arith.cmpi eq, %iota3A_29, %eq3A_59 : vector<128x64xi32>
      %convert_element_type3A_61 = arith.extui %eq3A_60 : vector<128x64xi1> to vector<128x64xi32>
      %get3A_62 = arith.constant 0 : index
      %get3A_63 = arith.constant 0 : index
      %get3A_64 = arith.constant 0 : index
      %get3A_65 = vector.load %arg3[%get3A_62, %get3A_63, %get3A_64] : memref<1x128x64xi32, #tpu.memory_space<vmem>>, vector<1x128x64xi32>
      %get3A_66 = vector.shape_cast %get3A_65 : vector<1x128x64xi32> to vector<128x64xi32>
      %sub3A_67 = vector.broadcast %select_n3A_58 : vector<128x1xi32> to vector<128x64xi32>
      %sub3A_68 = arith.subi %sub3A_67, %get3A_66 : vector<128x64xi32>
      %mul3A_69 = arith.muli %sub3A_68, %convert_element_type3A_61 : vector<128x64xi32>
      %add3A_70 = arith.addi %get3A_66, %mul3A_69 : vector<128x64xi32>
      %swap3A = arith.constant 0 : index
      %swap3A_71 = arith.constant 0 : index
      %swap3A_72 = arith.constant 0 : index
      %swap3A_73 = vector.load %arg3[%swap3A, %swap3A_71, %swap3A_72] : memref<1x128x64xi32, #tpu.memory_space<vmem>>, vector<1x128x64xi32>
      %swap3A_74 = vector.shape_cast %swap3A_73 : vector<1x128x64xi32> to vector<128x64xi32>
      %swap3A_75 = vector.shape_cast %add3A_70 : vector<128x64xi32> to vector<1x128x64xi32>
      tpu.vector_store %arg3[%swap3A, %swap3A_71, %swap3A_72], %swap3A_75 {strides = array<i32>} : memref<1x128x64xi32, #tpu.memory_space<vmem>>, vector<1x128x64xi32>,
      %eq3A_76 = arith.constant 512 : i32
      %eq3A_77 = vector.broadcast %eq3A_76 : i32 to vector<128x1xi32>
      %eq3A_78 = arith.cmpi eq, %broadcast_in_dim3A_55, %eq3A_77 : vector<128x1xi32>
      %select_n3A_79 = arith.select %eq3A_78, %scan3A_47, %broadcast_in_dim3A_55 : vector<128x1xi1>, vector<128x1xi32>
      scf.yield %select_n3A_79 : vector<128x1xi32>
    }
    %scan3A_45 = arith.constant 64 : i32
    return
  }
  func.func @transform_0(%arg0: i32) -> (i32, i32, i32) {
    %c0_i32 = arith.constant 0 : i32
    %c0_i32_0 = arith.constant 0 : i32
    %c0_i32_1 = arith.constant 0 : i32
    return %arg0, %c0_i32, %c0_i32_0 : i32, i32, i32
  }
  func.func @transform_1(%arg0: i32) -> (i32, i32, i32) {
    %c0_i32 = arith.constant 0 : i32
    %c0_i32_0 = arith.constant 0 : i32
    %c0_i32_1 = arith.constant 0 : i32
    return %arg0, %c0_i32, %c0_i32_0 : i32, i32, i32
  }
  func.func @transform_2(%arg0: i32) -> (i32, i32, i32) {
    %c0_i32 = arith.constant 0 : i32
    %c0_i32_0 = arith.constant 0 : i32
    %c0_i32_1 = arith.constant 0 : i32
    return %arg0, %c0_i32, %c0_i32_0 : i32, i32, i32
  }
}

module attributes {stable_mosaic.version = 14 : i64} {
  func.func @_knn3_body(%arg0: i32, %arg1: memref<1x512x3xf32, #tpu.memory_space<vmem>>, %arg2: memref<1x3x128xf32, #tpu.memory_space<vmem>>, %arg3: memref<1x512x3xi32, #tpu.memory_space<vmem>>, %arg4: memref<1x512x3xf32, #tpu.memory_space<vmem>>) attributes {dimension_semantics = [#tpu.dimension_semantics<arbitrary>], iteration_bounds = array<i64: 16>, scalar_prefetch = 0 : i64, scratch_operands = 0 : i64, tpu.core_type = #tpu.core_type<tc>, window_params = [{transform_indices = @transform_0, window_bounds = array<i64: 1, 512, 3>}, {transform_indices = @transform_1, window_bounds = array<i64: 1, 3, 128>}, {transform_indices = @transform_2, window_bounds = array<i64: 1, 512, 3>}, {transform_indices = @transform_3, window_bounds = array<i64: 1, 512, 3>}]} {
    %get3A = arith.constant 0 : index
    %get3A_0 = arith.constant 0 : index
    %get3A_1 = arith.constant 0 : index
    %get3A_2 = vector.load %arg1[%get3A, %get3A_0, %get3A_1] : memref<1x512x3xf32, #tpu.memory_space<vmem>>, vector<1x512x3xf32>
    %get3A_3 = vector.shape_cast %get3A_2 : vector<1x512x3xf32> to vector<512x3xf32>
    %get3A_4 = arith.constant 0 : index
    %get3A_5 = arith.constant 0 : index
    %get3A_6 = arith.constant 0 : index
    %get3A_7 = vector.load %arg2[%get3A_4, %get3A_5, %get3A_6] : memref<1x3x128xf32, #tpu.memory_space<vmem>>, vector<1x3x128xf32>
    %get3A_8 = vector.shape_cast %get3A_7 : vector<1x3x128xf32> to vector<3x128xf32>
    %slice3A = vector.extract_strided_slice %get3A_3 {offsets = [0, 0], sizes = [512, 1], strides = [1, 1]} : vector<512x3xf32> to vector<512x1xf32>
    %slice3A_9 = vector.extract_strided_slice %get3A_3 {offsets = [0, 1], sizes = [512, 1], strides = [1, 1]} : vector<512x3xf32> to vector<512x1xf32>
    %slice3A_10 = vector.extract_strided_slice %get3A_3 {offsets = [0, 2], sizes = [512, 1], strides = [1, 1]} : vector<512x3xf32> to vector<512x1xf32>
    %mul3A = arith.mulf %slice3A, %slice3A : vector<512x1xf32>
    %mul3A_11 = arith.mulf %slice3A_9, %slice3A_9 : vector<512x1xf32>
    %add3A = arith.addf %mul3A, %mul3A_11 : vector<512x1xf32>
    %mul3A_12 = arith.mulf %slice3A_10, %slice3A_10 : vector<512x1xf32>
    %add3A_13 = arith.addf %add3A, %mul3A_12 : vector<512x1xf32>
    %slice3A_14 = vector.extract_strided_slice %get3A_8 {offsets = [0, 0], sizes = [1, 128], strides = [1, 1]} : vector<3x128xf32> to vector<1x128xf32>
    %slice3A_15 = vector.extract_strided_slice %get3A_8 {offsets = [1, 0], sizes = [1, 128], strides = [1, 1]} : vector<3x128xf32> to vector<1x128xf32>
    %slice3A_16 = vector.extract_strided_slice %get3A_8 {offsets = [2, 0], sizes = [1, 128], strides = [1, 1]} : vector<3x128xf32> to vector<1x128xf32>
    %mul3A_17 = arith.mulf %slice3A_14, %slice3A_14 : vector<1x128xf32>
    %mul3A_18 = arith.mulf %slice3A_15, %slice3A_15 : vector<1x128xf32>
    %add3A_19 = arith.addf %mul3A_17, %mul3A_18 : vector<1x128xf32>
    %mul3A_20 = arith.mulf %slice3A_16, %slice3A_16 : vector<1x128xf32>
    %add3A_21 = arith.addf %add3A_19, %mul3A_20 : vector<1x128xf32>
    %dot_general3A = arith.constant dense<0.000000e+00> : vector<512x128xf32>
    %dot_general3A_22 = tpu.matmul %get3A_3, %get3A_8, %dot_general3A {dimension_numbers = #tpu.dot_dimension_numbers<[1], [0], [0], [1], [0, 0, 1, 1], [], []>, transpose_lhs_hint = false} : vector<512x3xf32>, vector<3x128xf32>, vector<512x128xf32> -> vector<512x128xf32>
    %add3A_23 = vector.broadcast %add3A_13 : vector<512x1xf32> to vector<512x128xf32>
    %add3A_24 = vector.broadcast %add3A_21 : vector<1x128xf32> to vector<512x128xf32>
    %add3A_25 = arith.addf %add3A_23, %add3A_24 : vector<512x128xf32>
    %mul3A_26 = arith.constant 2.000000e+00 : f32
    %mul3A_27 = vector.broadcast %mul3A_26 : f32 to vector<512x128xf32>
    %mul3A_28 = arith.mulf %mul3A_27, %dot_general3A_22 : vector<512x128xf32>
    %sub3A = arith.subf %add3A_25, %mul3A_28 : vector<512x128xf32>
    %iota3A = tpu.iota {dimensions = array<i32: 1>} : vector<512x128xi32>
    %reduce_min3A = arith.constant dense<0x7F800000> : vector<512xf32>
    %reduce_min3A_29 = vector.multi_reduction <minimumf>, %sub3A, %reduce_min3A [1] : vector<512x128xf32> to vector<512xf32>
    %broadcast_in_dim3A = vector.shape_cast %reduce_min3A_29 : vector<512xf32> to vector<512x1xf32>
    %eq3A = vector.broadcast %broadcast_in_dim3A : vector<512x1xf32> to vector<512x128xf32>
    %eq3A_30 = arith.cmpf oeq, %sub3A, %eq3A : vector<512x128xf32>
    %jit3A = arith.constant 128 : i32
    %broadcast_in_dim3A_31 = vector.broadcast %jit3A : i32 to vector<512x128xi32>
    %select_n3A = arith.select %eq3A_30, %iota3A, %broadcast_in_dim3A_31 : vector<512x128xi1>, vector<512x128xi32>
    %reduce_min3A_32 = arith.constant dense<2147483647> : vector<512xi32>
    %reduce_min3A_33 = vector.multi_reduction <minsi>, %select_n3A, %reduce_min3A_32 [1] : vector<512x128xi32> to vector<512xi32>
    %broadcast_in_dim3A_34 = vector.shape_cast %reduce_min3A_33 : vector<512xi32> to vector<512x1xi32>
    %eq3A_35 = vector.broadcast %broadcast_in_dim3A_34 : vector<512x1xi32> to vector<512x128xi32>
    %eq3A_36 = arith.cmpi eq, %iota3A, %eq3A_35 : vector<512x128xi32>
    %jit3A_37 = arith.constant 1.000000e+10 : f32
    %broadcast_in_dim3A_38 = vector.broadcast %jit3A_37 : f32 to vector<512x128xf32>
    %select_n3A_39 = arith.select %eq3A_36, %broadcast_in_dim3A_38, %sub3A : vector<512x128xi1>, vector<512x128xf32>
    %reduce_min3A_40 = arith.constant dense<0x7F800000> : vector<512xf32>
    %reduce_min3A_41 = vector.multi_reduction <minimumf>, %select_n3A_39, %reduce_min3A_40 [1] : vector<512x128xf32> to vector<512xf32>
    %broadcast_in_dim3A_42 = vector.shape_cast %reduce_min3A_41 : vector<512xf32> to vector<512x1xf32>
    %eq3A_43 = vector.broadcast %broadcast_in_dim3A_42 : vector<512x1xf32> to vector<512x128xf32>
    %eq3A_44 = arith.cmpf oeq, %select_n3A_39, %eq3A_43 : vector<512x128xf32>
    %jit3A_45 = arith.constant 128 : i32
    %broadcast_in_dim3A_46 = vector.broadcast %jit3A_45 : i32 to vector<512x128xi32>
    %select_n3A_47 = arith.select %eq3A_44, %iota3A, %broadcast_in_dim3A_46 : vector<512x128xi1>, vector<512x128xi32>
    %reduce_min3A_48 = arith.constant dense<2147483647> : vector<512xi32>
    %reduce_min3A_49 = vector.multi_reduction <minsi>, %select_n3A_47, %reduce_min3A_48 [1] : vector<512x128xi32> to vector<512xi32>
    %broadcast_in_dim3A_50 = vector.shape_cast %reduce_min3A_49 : vector<512xi32> to vector<512x1xi32>
    %eq3A_51 = vector.broadcast %broadcast_in_dim3A_50 : vector<512x1xi32> to vector<512x128xi32>
    %eq3A_52 = arith.cmpi eq, %iota3A, %eq3A_51 : vector<512x128xi32>
    %jit3A_53 = arith.constant 1.000000e+10 : f32
    %broadcast_in_dim3A_54 = vector.broadcast %jit3A_53 : f32 to vector<512x128xf32>
    %select_n3A_55 = arith.select %eq3A_52, %broadcast_in_dim3A_54, %select_n3A_39 : vector<512x128xi1>, vector<512x128xf32>
    %reduce_min3A_56 = arith.constant dense<0x7F800000> : vector<512xf32>
    %reduce_min3A_57 = vector.multi_reduction <minimumf>, %select_n3A_55, %reduce_min3A_56 [1] : vector<512x128xf32> to vector<512xf32>
    %broadcast_in_dim3A_58 = vector.shape_cast %reduce_min3A_57 : vector<512xf32> to vector<512x1xf32>
    %eq3A_59 = vector.broadcast %broadcast_in_dim3A_58 : vector<512x1xf32> to vector<512x128xf32>
    %eq3A_60 = arith.cmpf oeq, %select_n3A_55, %eq3A_59 : vector<512x128xf32>
    %jit3A_61 = arith.constant 128 : i32
    %broadcast_in_dim3A_62 = vector.broadcast %jit3A_61 : i32 to vector<512x128xi32>
    %select_n3A_63 = arith.select %eq3A_60, %iota3A, %broadcast_in_dim3A_62 : vector<512x128xi1>, vector<512x128xi32>
    %reduce_min3A_64 = arith.constant dense<2147483647> : vector<512xi32>
    %reduce_min3A_65 = vector.multi_reduction <minsi>, %select_n3A_63, %reduce_min3A_64 [1] : vector<512x128xi32> to vector<512xi32>
    %broadcast_in_dim3A_66 = vector.shape_cast %reduce_min3A_65 : vector<512xi32> to vector<512x1xi32>
    %add3A_67 = arith.constant 9.99999993E-9 : f32
    %add3A_68 = vector.broadcast %add3A_67 : f32 to vector<512x1xf32>
    %add3A_69 = arith.addf %broadcast_in_dim3A, %add3A_68 : vector<512x1xf32>
    %div3A = arith.constant 1.000000e+00 : f32
    %div3A_70 = vector.broadcast %div3A : f32 to vector<512x1xf32>
    %div3A_71 = arith.divf %div3A_70, %add3A_69 : vector<512x1xf32>
    %add3A_72 = arith.constant 9.99999993E-9 : f32
    %add3A_73 = vector.broadcast %add3A_72 : f32 to vector<512x1xf32>
    %add3A_74 = arith.addf %broadcast_in_dim3A_42, %add3A_73 : vector<512x1xf32>
    %div3A_75 = arith.constant 1.000000e+00 : f32
    %div3A_76 = vector.broadcast %div3A_75 : f32 to vector<512x1xf32>
    %div3A_77 = arith.divf %div3A_76, %add3A_74 : vector<512x1xf32>
    %add3A_78 = arith.constant 9.99999993E-9 : f32
    %add3A_79 = vector.broadcast %add3A_78 : f32 to vector<512x1xf32>
    %add3A_80 = arith.addf %broadcast_in_dim3A_58, %add3A_79 : vector<512x1xf32>
    %div3A_81 = arith.constant 1.000000e+00 : f32
    %div3A_82 = vector.broadcast %div3A_81 : f32 to vector<512x1xf32>
    %div3A_83 = arith.divf %div3A_82, %add3A_80 : vector<512x1xf32>
    %add3A_84 = arith.addf %div3A_71, %div3A_77 : vector<512x1xf32>
    %add3A_85 = arith.addf %add3A_84, %div3A_83 : vector<512x1xf32>
    %concatenate3A = tpu.concatenate %broadcast_in_dim3A_34, %broadcast_in_dim3A_50, %broadcast_in_dim3A_66 in 1 : vector<512x1xi32>, vector<512x1xi32>, vector<512x1xi32> -> vector<512x3xi32>
    %swap3A = arith.constant 0 : index
    %swap3A_86 = arith.constant 0 : index
    %swap3A_87 = arith.constant 0 : index
    %swap3A_88 = vector.load %arg3[%swap3A, %swap3A_86, %swap3A_87] : memref<1x512x3xi32, #tpu.memory_space<vmem>>, vector<1x512x3xi32>
    %swap3A_89 = vector.shape_cast %swap3A_88 : vector<1x512x3xi32> to vector<512x3xi32>
    %swap3A_90 = vector.shape_cast %concatenate3A : vector<512x3xi32> to vector<1x512x3xi32>
    tpu.vector_store %arg3[%swap3A, %swap3A_86, %swap3A_87], %swap3A_90 {strides = array<i32>} : memref<1x512x3xi32, #tpu.memory_space<vmem>>, vector<1x512x3xi32>,
    %div3A_91 = arith.divf %div3A_71, %add3A_85 : vector<512x1xf32>
    %div3A_92 = arith.divf %div3A_77, %add3A_85 : vector<512x1xf32>
    %div3A_93 = arith.divf %div3A_83, %add3A_85 : vector<512x1xf32>
    %concatenate3A_94 = tpu.concatenate %div3A_91, %div3A_92, %div3A_93 in 1 : vector<512x1xf32>, vector<512x1xf32>, vector<512x1xf32> -> vector<512x3xf32>
    %swap3A_95 = arith.constant 0 : index
    %swap3A_96 = arith.constant 0 : index
    %swap3A_97 = arith.constant 0 : index
    %swap3A_98 = vector.load %arg4[%swap3A_95, %swap3A_96, %swap3A_97] : memref<1x512x3xf32, #tpu.memory_space<vmem>>, vector<1x512x3xf32>
    %swap3A_99 = vector.shape_cast %swap3A_98 : vector<1x512x3xf32> to vector<512x3xf32>
    %swap3A_100 = vector.shape_cast %concatenate3A_94 : vector<512x3xf32> to vector<1x512x3xf32>
    tpu.vector_store %arg4[%swap3A_95, %swap3A_96, %swap3A_97], %swap3A_100 {strides = array<i32>} : memref<1x512x3xf32, #tpu.memory_space<vmem>>, vector<1x512x3xf32>,
    return
  }
  func.func @transform_0(%arg0: i32) -> (i32, i32, i32) {
    %c0_i32 = arith.constant 0 : i32
    %c0_i32_0 = arith.constant 0 : i32
    %c0_i32_1 = arith.constant 0 : i32
    return %arg0, %c0_i32, %c0_i32_0 : i32, i32, i32
  }
  func.func @transform_1(%arg0: i32) -> (i32, i32, i32) {
    %c0_i32 = arith.constant 0 : i32
    %c0_i32_0 = arith.constant 0 : i32
    %c0_i32_1 = arith.constant 0 : i32
    return %arg0, %c0_i32, %c0_i32_0 : i32, i32, i32
  }
  func.func @transform_2(%arg0: i32) -> (i32, i32, i32) {
    %c0_i32 = arith.constant 0 : i32
    %c0_i32_0 = arith.constant 0 : i32
    %c0_i32_1 = arith.constant 0 : i32
    return %arg0, %c0_i32, %c0_i32_0 : i32, i32, i32
  }
  func.func @transform_3(%arg0: i32) -> (i32, i32, i32) {
    %c0_i32 = arith.constant 0 : i32
    %c0_i32_0 = arith.constant 0 : i32
    %c0_i32_1 = arith.constant 0 : i32
    return %arg0, %c0_i32, %c0_i32_0 : i32, i32, i32
  }
}

</mosaic_0001>

<sc_bundles>
// kernel: gather_offload_async_start.1
scs
__scs_entry_jumppad:
0x0: {  	(pc) =	sbr.rel $0x88, $3  }
0x1: {  	(tag) =	ssettag $0x0;
	lr =	simm.s32 $0x1  }
0x2: {  	[smem:$0x3F3D] =	sst lr;
	_ =	strace $0xD0000000  }
0x3: {  	_ = 	snop  }
0x4: {  	_ = 	snop  }
0x5: {  	_ = 	snop  }
0x6: {  	_ = 	snop  }
0x7: {  	_ = 	snop  }
__scs_overlays_trampoline_lowered:
0x8: {  	[smem:$0x3F4C] =	sst s0  }
0x9: {  	[smem:$0x3F4D] =	sst s1  }
0xa: {  	[smem:$0x3F4E] =	sst s2  }
0xb: {  	[smem:$0x3F4F] =	sst s3  }
0xc: {  	[smem:$0x3F50] =	sst s4  }
0xd: {  	[smem:$0x3F51] =	sst s5  }
0xe: {  	[smem:$0x3F52] =	sst s6  }
0xf: {  	[smem:$0x3F53] =	sst s7  }
0x10: {  	[smem:$0x3F54] =	sst s8  }
0x11: {  	[smem:$0x3F55] =	sst s9;
	s0 =	simm.s32 @!p0 $0x0  }
0x12: {  	s1 =	sld [smem:$0x3F3B];
	s0 =	simm.s32 @p0 $0x1  }
0x13: {  	[smem:$0x3F56] =	sst s0;
	s0 =	simm.s32 @!p1 $0x0  }
0x14: {  	s2 =	sld [smem:$0x3F3A];
	s0 =	simm.s32 @p1 $0x1  }
0x15: {  	[smem:$0x3F57] =	sst s0;
	s0 =	simm.s32 @!p2 $0x0  }
0x16: {  	s3 =	sld [smem:$0x3FDB];
	s0 =	simm.s32 @p2 $0x1  }
0x17: {  	s4 =	simm.s32 $0x1BF5;
	[smem:$0x3F59] =	sst s0  }
0x18: {  	s0 =	sld [smem:$0x3F3C];
	_ =	swait.ge [sflag:s4], $0x0  }
0x19: {  	s7 =	sld [smem:$0x3F3D]  }
0x1a: {  	s8 =	sadd.s32 $0xFFFFE003, lr  }
0x1b: {  	s9 =	sadd.s32 $0xFFFFFEF7, lr;
	s5 =	simm.s32 $0xFFFFFFFF;
	p2 =	slt.u32 s8, $0xFFFFF086  }
0x1c: {  	p1 =	slt.u32 s9, $0xF7A;
	s5 =	simm.s32 @!p2 $0x0  }
0x1d: {  	s5 =	simm.s32 @p1 $0x1;
	p0 =	seq.s32 s7, s2  }
0x1e: {  	s7 =	smul.u32 @!p0 $0xF7A, s2;
	p2 =	seq.s32 @!p0 s5, $0x0  }
0x1f: {  	s9 =	smul.u32 $0xF7A, s1;
	s8 =	simm.s32 @!p0 $0x1BF5;
	p2 =	por !p2, p0  }
0x20: {  	[sflag:s8] =	ssyncset.s32 @!p0 $0xFFFFF086;
	s6 =	sadd.s32 @!p0 s3, s7;
	s7 =	simm.s32 @!p0 $0x108  }
0x21: {  	s3 =	sadd.s32 s3, s9;
	s6 =	sadd.s32 @!p0 $0x88, s6;
	s7 =	simm.s32 @p2 $0x1082  }
0x22: {  	[simem:s7], [sflag:s8] =	dma.local @!p0 [hbm:s6], $0xF7A  }
0x23: {  	s9 =	sor.u32 $0xD0000000, s2;
	s6 =	simm.s32 $0x108;
	_ =	swait.ge @!p0 [sflag:s8], $0x0  }
0x24: {  	s3 =	sadd.s32 $0x88, s3;
	s6 =	simm.s32 @!p1 $0x1082;
	[sflag:s4] =	ssyncset.s32 $0xFFFFF086  }
0x25: {  	[simem:s6], [sflag:s4] =	dma.local [hbm:s3], $0xF7A  }
0x26: {  	[smem:$0x3F3D] =	sst s1;
	(tag) =	ssettag s2;
	_ =	strace s9  }
0x27: {  	s1 =	sld [smem:$0x3F4D]  }
0x28: {  	s2 =	sld [smem:$0x3F4E]  }
0x29: {  	s4 =	sld [smem:$0x3F50]  }
0x2a: {  	p0 =	seq.s32 s5, $0x0;
	s5 =	sld [smem:$0x3F51]  }
0x2b: {  	s6 =	sld [smem:$0x3F52]  }
0x2c: {  	s7 =	sld [smem:$0x3F53]  }
0x2d: {  	s3 =	simm.s32 $0x108;
	s8 =	sld [smem:$0x3F54]  }
0x2e: {  	s3 =	simm.s32 @!p0 $0x1082;
	s9 =	sld [smem:$0x3F55]  }
0x2f: {  	lr =	sadd.s32 s0, s3;
	s0 =	sld [smem:$0x3F4C]  }
0x30: {  	s3 =	sld [smem:$0x3F4F]  }
0x31: {  	[smem:$0x3F58] =	sst s10  }
0x32: {  	s10 =	sld [smem:$0x3F56];
	_ =	sdelay $0x3  }
0x33: {  	p0 =	seq.s32 s10, $0x1;
	s10 =	sld [smem:$0x3F58];
	_ =	sdelay $0x3  }
0x34: {  	[smem:$0x3F58] =	sst s10  }
0x35: {  	s10 =	sld [smem:$0x3F57];
	_ =	sdelay $0x3  }
0x36: {  	p1 =	seq.s32 s10, $0x1;
	s10 =	sld [smem:$0x3F58];
	_ =	sdelay $0x3  }
0x37: {  	[smem:$0x3F58] =	sst s10  }
0x38: {  	s10 =	sld [smem:$0x3F59]  }
0x39: {  	_ = 	snop;
	(pc) =	sbr.ind lr, $3  }
0x3a: {  	_ = 	snop  }
0x3b: {  	_ = 	snop  }
0x3c: {  	p2 =	seq.s32 s10, $0x1;
	s10 =	sld [smem:$0x3F58]  }
0x3d: {  	_ =	shalt  }
0x3e: {  	_ =	shalt  }
0x3f: {  	_ =	shalt  }
0x40: {  	_ =	shalt  }
0x41: {  	_ =	shalt  }
0x42: {  	_ =	shalt  }
0x43: {  	_ =	shalt  }
0x44: {  	_ =	shalt  }
0x45: {  	_ =	shalt  }
0x46: {  	_ =	shalt  }
0x47: {  	_ =	shalt  }
0x48: {  	_ =	shalt  }
0x49: {  	_ =	shalt  }
0x4a: {  	_ =	shalt  }
0x4b: {  	_ =	shalt  }
0x4c: {  	_ =	shalt  }
0x4d: {  	_ =	shalt  }
0x4e: {  	_ =	shalt  }
0x4f: {  	_ =	shalt  }
0x50: {  	_ =	shalt  }
0x51: {  	_ =	shalt  }
0x52: {  	_ =	shalt  }
0x53: {  	_ =	shalt  }
0x54: {  	_ =	shalt  }
0x55: {  	_ =	shalt  }
0x56: {  	_ =	shalt  }
0x57: {  	_ =	shalt  }
0x58: {  	_ =	shalt  }
0x59: {  	_ =	shalt  }
0x5a: {  	_ =	shalt  }
0x5b: {  	_ =	shalt  }
0x5c: {  	_ =	shalt  }
0x5d: {  	_ =	shalt  }
0x5e: {  	_ =	shalt  }
0x5f: {  	_ =	shalt  }
0x60: {  	_ =	shalt  }
0x61: {  	_ =	shalt  }
0x62: {  	_ =	shalt  }
0x63: {  	_ =	shalt  }
0x64: {  	_ =	shalt  }
0x65: {  	_ =	shalt  }
0x66: {  	_ =	shalt  }
0x67: {  	_ =	shalt  }
0x68: {  	_ =	shalt  }
0x69: {  	_ =	shalt  }
0x6a: {  	_ =	shalt  }
0x6b: {  	_ =	shalt  }
0x6c: {  	_ =	shalt  }
0x6d: {  	_ =	shalt  }
0x6e: {  	_ =	shalt  }
0x6f: {  	_ =	shalt  }
0x70: {  	_ =	shalt  }
0x71: {  	_ =	shalt  }
0x72: {  	_ =	shalt  }
0x73: {  	_ =	shalt  }
0x74: {  	_ =	shalt  }
0x75: {  	_ =	shalt  }
0x76: {  	_ =	shalt  }
0x77: {  	_ =	shalt  }
0x78: {  	_ =	shalt  }
0x79: {  	_ =	shalt  }
0x7a: {  	_ =	shalt  }
0x7b: {  	_ =	shalt  }
0x7c: {  	_ =	shalt  }
0x7d: {  	_ =	shalt  }
0x7e: {  	_ =	shalt  }
0x7f: {  	_ =	shalt  }
0x80: {  	_ =	shalt  }
0x81: {  	_ =	shalt  }
0x82: {  	_ =	shalt  }
0x83: {  	_ =	shalt  }
0x84: {  	_ =	shalt  }
0x85: {  	_ =	shalt  }
0x86: {  	_ =	shalt  }
0x87: {  	_ =	shalt  }
.Lfunc_end0:
.L_simem_size_0:
called_computation.2_lowered:
.L_overlay_start_0:
0x88: {  	s2 =	sld [smem:$0x3FD9]  }
0x89: {  	s3 =	sld [smem:$0x3FFE];
	_ =	sdelay $0x1  }
0x8a: {  	s1 =	srdreg.scid  }
0x8b: {  	s0 =	sand.u32 $0x1, s1  }
0x8c: {  	s16 =	sshll.u32 s0, $0xA;
	s2 =	sadd.s32 s3, s2  }
0x8d: {  	s2 =	sadd.s32 s2, s16  }
0x8e: {  	[smem:$0x3F64] =	sst s2  }
0x8f: {  	_ = 	snop  }
0x90: {  	(tm) =	ssettm $0x1  }
0x91: {  	s17 =	sld [smem:$0x3FFB];
	_ =	sdelay $0x3  }
0x92: {  	_ =	strace s17  }
0x93: {  	s2 =	sld [smem:$0x3FFC];
	_ =	sdelay $0x3  }
0x94: {  	_ =	strace s2  }
0x95: {  	s2 =	sld [smem:$0x3FFD];
	_ =	sdelay $0x3  }
0x96: {  	_ =	strace s2  }
0x97: {  	_ =	strace $0x8FFFFFFF  }
0x98: {  	s18 =	sld [smem:$0x3FDB];
	_ =	sdelay $0x1  }
0x99: {  	s19 =	simm.s32 $_scs_section_size  }
0x9a: {  	s4 =	simm.s32 $_size__tile_overlayer_lowered;
	s5 =	simm.s32 $_tile_overlayer_lowered  }
0x9b: {  	s22 =	simm.s32 $0x1BFF;
	s21 =	sshll.u32 s5, $0x1;
	s2 =	sadd.s32 s19, s18  }
0x9c: {  	s6 =	simm.s32 $0x0;
	s20 =	sshll.u32 s4, $0x1;
	s4 =	sadd.s32 s21, s2  }
0x9d: {  	[timem:s6], [sflag:s22] =	dma.local [hbm:s4], s20  }
0x9e: {  	_ =	swait.ge [sflag:s22], s20  }
0x9f: {  	s3 =	ssub.s32 $0x0, s20;
	[sflag:s22] =	ssyncset.done $0x0  }
0xa0: {  	[sflag:s22] =	ssyncadd.s32 s3;
	_ =	sdelay $0x1  }
0xa1: {  	s23 =	simm.s32 $0x1B8B  }
0xa2: {  	_ =	swait.ge [sflag:s23], $0x1  }
0xa3: {  	[sflag:s23] =	ssyncset.done $0x0  }
0xa4: {  	s25 =	simm.s32 $0x1B8E;
	s24 =	sld [smem:$0x3FFE];
	[sflag:s23] =	ssyncadd.s32 $0xFFFFFFFF  }
0xa5: {  	s26 =	simm.s32 $execute0_lowered;
	[smem:$0x3FD2] =	sst s25  }
0xa6: {  	s4 =	sshll.u32 s26, $0x1;
	_ =	strace $0x80000049;
	[dreg:$0x1] =	wrdreg $0xFFFFFFFF  }
0xa7: {  	s28 =	simm.s32 $_size_execute0_lowered;
	s2 =	sadd.s32 s2, s4;
	[dreg:$0x0] =	wrdreg $0x0  }
0xa8: {  	s4 =	sshll.u32 s28, $0x1;
	[dreg:$0x2] =	wrdreg s2  }
0xa9: {  	[dreg:$0x3] =	wrdreg s4  }
0xaa: {  	[dreg:$0x4] =	wrdreg $0xC0  }
0xab: {  	_ =	task [dreg:s6], $0x5FFFF  }
0xac: {  	[dreg:$0x1] =	wrdreg $0xFFFFFFFF  }
0xad: {  	[dreg:$0x0] =	wrdreg $0x60  }
0xae: {  	[dreg:$0x2] =	wrdreg s24  }
0xaf: {  	[dreg:$0x3] =	wrdreg $0x9  }
0xb0: {  	_ =	task.clear_ibuf [dreg:s6], $0x4FFFF;
	_ =	strace $0x90000049  }
0xb1: {  	s29 =	simm.s32 $0x9;
	_ =	strace $0x8000004B  }
0xb2: {  	_ =	swait.ge [sflag:s29], $0x1  }
0xb3: {  	[sflag:s29] =	ssyncadd.s32 $0xFFFFFFFF  }
0xb4: {  	_ =	strace $0x9000004B  }
0xb5: {  	_ =	sfence  }
0xb6: {  	s30 =	sld [smem:$0x0];
	_ =	sdelay $0x2  }
0xb7: {  	s31 =	sshll.u32 s1, $0xD;
	s1 =	sshrl.u32 s1, $0x2  }
0xb8: {  	s3 =	sand.u32 $0x4000, s31;
	s1 =	sadd.s32 s1, s30  }
0xb9: {  	s0 =	sor.u32 s3, s0;
	s1 =	sshll.u32 s1, $0x11  }
0xba: {  	s0 =	sor.u32 s1, s0  }
0xbb: {  	s0 =	sadd.s32 $0x8F2B, s0  }
0xbc: {  	[sflag:s0] =	ssyncadd.remote.s32 $0x1  }
0xbd: {  	_ =	sfence.sel $0xFFFF  }
0xbe: {  	[dreg:$0x0] =	wrdreg $0xFFFFFFFF;
	(pc) =	sbr.abs _section_cstart, $3  }
0xbf: {  	[dreg:$0x1] =	wrdreg $0xFFFFFFFF  }
0xc0: {  	_ =	task.clear_ibuf [dreg:s6], $0x2FFFF;
	_ =	strace $0x9FFFFFFF  }
0xc1: {  	(tm) =	ssettm $0x7FFFFFFF  }
tec
execute0_lowered:
.L_overlay_start_1:
0x0: {  	(tag) =	ssettag $0x1  }
0x1: {  	s7 =	rddreg [dreg:$0x0]  }
0x2: {  	s0 =	rddreg [dreg:$0x1];
	_ =	strace $0x8000004A  }
0x3: {  	s1 =	srdreg.scid;
	s4 =	simm.s32 $0x1;
	s9 =	simm.s32 $0x3  }
0x4: {  	s12 =	simm.s32 $0x0;
	s10 =	simm.s32 $0x0;
	s5 =	sshll.u32 s1, $0x4  }
.Ltmp0:
0x5: {  	s1 =	stileid.u32;
	s5 =	sand.u32 $0x10, s5;
	(pc) =	sbr.rel .LBB2_1-.Ltmp0, $4  }
0x6: {  	s2 =	sadd.s32 $0x86800, s7;
	s3 =	sadd.s32 $0x83E00, s7;
	s6 =	sor.u32 s1, s5  }
0x7: {  	[sflag:s4] =	ssyncpa.u1 $0x0;
	s5 =	simm.s32 $0x2;
	s6 =	sshll.u32 s6, $0x6  }
0x8: {  	s7 =	sadd.s32 $0xA7400, s7;
	[sflag:s5] =	ssyncpa.u1 $0x0;
	s8 =	sadd.s32 $0x40, s6  }
0x9: {  	vm0 =	vmmov $0xff;
	vm1 =	vcmask $0x3F20;
	[sflag:s9] =	ssyncpa.u1 $0x0;
	s9 =	simm.s32 $0x40;
	s11 =	smov.u32 s6  }
.LBB2_9:
0xa: {  	p0 =	seq.s32 s10, $0x2  }
.Ltmp1:
0xb: {  	_ = 	snop;
	(pc) =	sbr.rel @p0 .LBB2_11-.Ltmp1, $1  }
0xc: {  	_ =	sdelay $0x3  }
.LBB2_10:
0xd: {  	s12 =	sadd.s32 $0x40, s11  }
0xe: {  	s13 =	smov.u32 s6;
	p0 =	slt.s32 s12, s8  }
0xf: {  	s13 =	smov.u32 @p0 s12  }
0x10: {  	s10 =	sadd.s32 $0x1, s10;
	s12 =	smov.u32 s11;
	s11 =	smov.u32 s13  }
.LBB2_1:
0x11: {  	p0 =	sne.s32 s10, $0x0  }
.Ltmp2:
0x12: {  	_ = 	snop;
	(pc) =	sbr.rel @!p0 .LBB2_2-.Ltmp2, $1  }
0x13: {  	_ =	sdelay $0x3  }
0x14: {  	s13 =	sand.u32 $0x1, s10  }
0x15: {  	p0 =	seq.s32 s13, $0x0  }
.Ltmp3:
0x16: {  	_ = 	snop;
	(pc) =	sbr.rel @p0 .LBB2_9-.Ltmp3, $1  }
0x17: {  	_ =	sdelay $0x3  }
0x18: {  	_ =	swait.ge [sflag:s5], $0x40  }
0x19: {  	[sflag:s5] =	ssyncset.done $0x0  }
0x1a: {  	s13 =	simm.s32 $0x0;
	[sflag:s5] =	ssyncadd.s32 $0xFFFFFFC0  }
0x1b: {  	v0 =	vld.msk [tilespmem:s13+$0x40 ss:$0x1], $0xffff;
	_ =	sdelay $0x4  }
0x1c: {  	v1 =	vshll.u32 v0, $0x3  }
0x1d: {  	vm2 =	veq.s32 v0, $0x80000000;
	v0 =	vshll.u32 v0, $0x10;
	v1 =	vand.u32 $0xFF80, v1  }
0x1e: {  	v0 =	vand.u32 $0xF0000, v0;
	v1 =	vsel vm2, $0xFFFFFF80, v1  }
0x1f: {  	v0 =	vsel vm2, $0xFFFF0000, v0;
	v2 =	vand.u32 $0xFFFFFC00, v1  }
0x20: {  	v1 =	vand.u32 $0x380, v1;
	v0 =	vadd.s32 v0, v2  }
0x21: {  	v0 =	vor.u32 v1, v0  }
0x22: {  	v0 =	vshrl.u32 v0, $0x3;
	_ =	sdelay $0x3  }
0x23: {  	s13 =	simm.s32 $0x2080  }
0x24: {  	[tilespmem:s13], [sflag:$0x1] =	stream.indirect_vreg.gather [hbm:s2], $0x80, v0, vm0, $0x38;
	[tilespmem:$0x4080] =	vst v63  }
0x25: {  	s14 =	simm.s32 $0x2480;
	s31 =	simm.s32 $0x10  }
0x26: {  	[tilespmem:s14], [sflag:$0x1] =	stream.indirect_vreg.gather [hbm:s2], $0x80, v0, vm1, $0x38;
	[tilespmem:$0x4080] =	vst v63  }
0x27: {  	s14 =	simm.s32 $0x80;
	v0 =	vld.msk [tilespmem:s31+$0x40 ss:$0x1], $0xffff  }
.LBB2_5:
0x28: {  	p0 =	sne.s32 s14, $0xC0;
	_ =	sdelay $0x4  }
0x29: {  	v1 =	vshll.u32 v0, $0x3  }
0x2a: {  	vm2 =	veq.s32 v0, $0x80000000;
	v0 =	vshll.u32 v0, $0x10;
	v1 =	vand.u32 $0xFF80, v1  }
0x2b: {  	v0 =	vand.u32 $0xF0000, v0;
	v1 =	vsel vm2, $0xFFFFFF80, v1  }
0x2c: {  	v0 =	vsel vm2, $0xFFFF0000, v0;
	v2 =	vand.u32 $0xFFFFFC00, v1  }
0x2d: {  	v1 =	vand.u32 $0x380, v1;
	v0 =	vadd.s32 v0, v2  }
0x2e: {  	v0 =	vor.u32 v1, v0  }
0x2f: {  	v0 =	vshrl.u32 v0, $0x3;
	_ =	sdelay $0x3  }
.Ltmp4:
0x30: {  	s13 =	sadd.s32 $0x800, s13;
	(pc) =	sbr.rel @p0 .LBB2_5-.Ltmp4, $4  }
0x31: {  	[tilespmem:s13], [sflag:$0x1] =	stream.indirect_vreg.gather [hbm:s2], $0x80, v0, vm0, $0x38;
	[tilespmem:$0x4080] =	vst v63  }
0x32: {  	s15 =	sshra.s32 s14, $0x2;
	s16 =	sadd.s32 $0x400, s13  }
0x33: {  	[tilespmem:s16], [sflag:$0x1] =	stream.indirect_vreg.gather [hbm:s2], $0x80, v0, vm1, $0x38;
	[tilespmem:$0x4080] =	vst v63  }
0x34: {  	s14 =	sadd.s32 $0x40, s14;
	v0 =	vld.msk [tilespmem:s15+$0x40 ss:$0x1], $0xffff  }
0x35: {  	_ =	sdelay $0x3  }
0x36: {  	v1 =	vshll.u32 v0, $0x3  }
0x37: {  	vm2 =	veq.s32 v0, $0x80000000;
	v63 =	vshll.u32 v0, $0x10;
	v1 =	vand.u32 $0xFF80, v1  }
0x38: {  	v0 =	vand.u32 $0xF0000, v63;
	v1 =	vsel vm2, $0xFFFFFF80, v1  }
0x39: {  	v0 =	vsel vm2, $0xFFFF0000, v0;
	v2 =	vand.u32 $0xFFFFFC00, v1  }
0x3a: {  	v1 =	vand.u32 $0x380, v1;
	v0 =	vadd.s32 v0, v2  }
0x3b: {  	v0 =	vor.u32 v1, v0  }
0x3c: {  	v0 =	vshrl.u32 v0, $0x3;
	_ =	sdelay $0x3  }
0x3d: {  	s13 =	sadd.s32 $0x800, s13  }
0x3e: {  	[tilespmem:s13], [sflag:$0x1] =	stream.indirect_vreg.gather [hbm:s2], $0x80, v0, vm0, $0x38;
	[tilespmem:$0x4080] =	vst v63  }
0x3f: {  	s13 =	sadd.s32 $0x400, s13  }
0x40: {  	[tilespmem:s13], [sflag:$0x1] =	stream.indirect_vreg.gather [hbm:s2], $0x80, v0, vm1, $0x38;
	[tilespmem:$0x4080] =	vst v63  }
0x41: {  	s12 =	sshll.u32 s12, $0x4;
	s14 =	simm.s32 $0x80;
	_ =	swait.ge [sflag:s4], $0x2000  }
0x42: {  	s15 =	simm.s32 $0x2480;
	s12 =	sadd.s32 s12, s7;
	[sflag:s4] =	ssyncset.done $0x0  }
0x43: {  	s16 =	sadd.s32 $0x0, s12;
	s13 =	simm.s32 $0x2080;
	[sflag:s4] =	ssyncadd.s32 $0xFFFFE000  }
.LBB2_7:
0x44: {  	[hbm:s16] =	stream.linear.scatter [tilespmem:s13], [sflag:$0x3], $0x400, $0x38;
	[tilespmem:$0x4080] =	vst v63  }
0x45: {  	s16 =	smov.u32 s14;
	s13 =	smov.u32 s15;
	p0 =	sne.s32 s14, $0x380  }
.Ltmp5:
0x46: {  	s14 =	sadd.s32 $0x80, s14;
	(pc) =	sbr.rel @p0 .LBB2_7-.Ltmp5, $2  }
0x47: {  	_ =	sdelay $0x2  }
0x48: {  	s15 =	sadd.s32 $0x400, s15;
	s16 =	sadd.s32 s16, s12  }
.Ltmp6:
0x49: {  	(pc) =	sbr.rel .LBB2_9-.Ltmp6, $2  }
0x4a: {  	_ =	sdelay $0x2  }
0x4b: {  	[hbm:s16] =	stream.linear.scatter [tilespmem:s13], [sflag:$0x3], $0x400, $0x38;
	[tilespmem:$0x4080] =	vst v63  }
.LBB2_2:
.Ltmp7:
0x4c: {  	(pc) =	sbr.rel .LBB2_10-.Ltmp7, $4  }
0x4d: {  	_ = 	snop  }
0x4e: {  	s12 =	sshrl.u32 s11, $0x3  }
0x4f: {  	s13 =	sand.u32 $0x7, s11;
	s12 =	sadd.s32 s3, s12  }
0x50: {  	[tilespmem:s9], [sflag:$0x2] =	stream.linear.gather [hbm4b:s12+s13], $0x40, $0x38;
	[tilespmem:$0x4080] =	vst v63  }
.LBB2_11:
0x51: {  	s2 =	simm.s32 $0x3  }
0x52: {  	_ =	swait.ge [sflag:s2], $0x2000  }
0x53: {  	[sflag:s2] =	ssyncset.done $0x0  }
0x54: {  	[sflag:s2] =	ssyncadd.s32 $0xFFFFE000  }
0x55: {  	_ =	sfence.sel $0x180000  }
0x56: {  	s3 =	simm.s32 $0x2;
	[bflag:$0x0] =	sbarrier.arrive $0xFFFF  }
0x57: {  	[sflag:s3] =	ssyncpa.u1 $0x1  }
0x58: {  	s31 =	simm.s32 $0x1;
	[sflag:s2] =	ssyncpa.u1 $0x1  }
0x59: {  	[sflag:s31] =	ssyncpa.u1 $0x1  }
0x5a: {  	p0 =	sne.s32 s1, $0x0;
	_ =	strace $0x9000004A  }
0x5b: {  	s0 =	sadd.s32 @!p0 $0x100000, s0;
	[bflag:$0x2] =	sbarrier.arrive $0xFFFF  }
0x5c: {  	[sflag:s0] =	ssyncadd.tile.s32 @!p0 $0x1;
	_ =	shalt  }
.Lfunc_end2:
_tile_overlayer_lowered:
.L_overlay_start_2:
0x5d: {  	(tag) =	ssettag $0x2  }
0x5e: {  	s0 =	rddreg [dreg:$0x0];
	s2 =	stileid.u32  }
0x5f: {  	s1 =	rddreg [dreg:$0x1];
	p0 =	sne.s32 s2, $0x0  }
0x60: {  	s3 =	rddreg [dreg:$0x2];
	[bflag:$0x3] =	sbarrier.arrive $0xFFFF;
	s2 =	simm.s32 @!p0 $0x1C01  }
0x61: {  	[timem:s3], [sflag:s2] =	dma.local @!p0 [hbm:s0], s1  }
0x62: {  	s0 =	simm.s32 @!p0 $0x1  }
0x63: {  	_ =	swait.ge @!p0 [sflag:s0], s1  }
0x64: {  	s1 =	ssub.s32 @!p0 $0x0, s1;
	[sflag:s0] =	ssyncset.done @!p0 $0x0  }
0x65: {  	[sflag:s0] =	ssyncadd.s32 @!p0 s1  }
0x66: {  	[bflag:$0x3] =	sbarrier.arrive $0xFFFF  }
0x67: {  	_ =	shalt  }

// kernel: gather_offload_async_start
scs
__scs_entry_jumppad:
0x0: {  	(pc) =	sbr.rel $0x88, $3  }
0x1: {  	(tag) =	ssettag $0x0;
	lr =	simm.s32 $0x1  }
0x2: {  	[smem:$0x3F3D] =	sst lr;
	_ =	strace $0xD0000000  }
0x3: {  	_ = 	snop  }
0x4: {  	_ = 	snop  }
0x5: {  	_ = 	snop  }
0x6: {  	_ = 	snop  }
0x7: {  	_ = 	snop  }
__scs_overlays_trampoline_lowered:
0x8: {  	[smem:$0x3F4C] =	sst s0  }
0x9: {  	[smem:$0x3F4D] =	sst s1  }
0xa: {  	[smem:$0x3F4E] =	sst s2  }
0xb: {  	[smem:$0x3F4F] =	sst s3  }
0xc: {  	[smem:$0x3F50] =	sst s4  }
0xd: {  	[smem:$0x3F51] =	sst s5  }
0xe: {  	[smem:$0x3F52] =	sst s6  }
0xf: {  	[smem:$0x3F53] =	sst s7  }
0x10: {  	[smem:$0x3F54] =	sst s8  }
0x11: {  	[smem:$0x3F55] =	sst s9;
	s0 =	simm.s32 @!p0 $0x0  }
0x12: {  	s1 =	sld [smem:$0x3F3B];
	s0 =	simm.s32 @p0 $0x1  }
0x13: {  	[smem:$0x3F56] =	sst s0;
	s0 =	simm.s32 @!p1 $0x0  }
0x14: {  	s2 =	sld [smem:$0x3F3A];
	s0 =	simm.s32 @p1 $0x1  }
0x15: {  	[smem:$0x3F57] =	sst s0;
	s0 =	simm.s32 @!p2 $0x0  }
0x16: {  	s3 =	sld [smem:$0x3FDB];
	s0 =	simm.s32 @p2 $0x1  }
0x17: {  	s4 =	simm.s32 $0x1BF5;
	[smem:$0x3F59] =	sst s0  }
0x18: {  	s0 =	sld [smem:$0x3F3C];
	_ =	swait.ge [sflag:s4], $0x0  }
0x19: {  	s7 =	sld [smem:$0x3F3D]  }
0x1a: {  	s8 =	sadd.s32 $0xFFFFE003, lr  }
0x1b: {  	s9 =	sadd.s32 $0xFFFFFEF7, lr;
	s5 =	simm.s32 $0xFFFFFFFF;
	p2 =	slt.u32 s8, $0xFFFFF086  }
0x1c: {  	p1 =	slt.u32 s9, $0xF7A;
	s5 =	simm.s32 @!p2 $0x0  }
0x1d: {  	s5 =	simm.s32 @p1 $0x1;
	p0 =	seq.s32 s7, s2  }
0x1e: {  	s7 =	smul.u32 @!p0 $0xF7A, s2;
	p2 =	seq.s32 @!p0 s5, $0x0  }
0x1f: {  	s9 =	smul.u32 $0xF7A, s1;
	s8 =	simm.s32 @!p0 $0x1BF5;
	p2 =	por !p2, p0  }
0x20: {  	[sflag:s8] =	ssyncset.s32 @!p0 $0xFFFFF086;
	s6 =	sadd.s32 @!p0 s3, s7;
	s7 =	simm.s32 @!p0 $0x108  }
0x21: {  	s3 =	sadd.s32 s3, s9;
	s6 =	sadd.s32 @!p0 $0x88, s6;
	s7 =	simm.s32 @p2 $0x1082  }
0x22: {  	[simem:s7], [sflag:s8] =	dma.local @!p0 [hbm:s6], $0xF7A  }
0x23: {  	s9 =	sor.u32 $0xD0000000, s2;
	s6 =	simm.s32 $0x108;
	_ =	swait.ge @!p0 [sflag:s8], $0x0  }
0x24: {  	s3 =	sadd.s32 $0x88, s3;
	s6 =	simm.s32 @!p1 $0x1082;
	[sflag:s4] =	ssyncset.s32 $0xFFFFF086  }
0x25: {  	[simem:s6], [sflag:s4] =	dma.local [hbm:s3], $0xF7A  }
0x26: {  	[smem:$0x3F3D] =	sst s1;
	(tag) =	ssettag s2;
	_ =	strace s9  }
0x27: {  	s1 =	sld [smem:$0x3F4D]  }
0x28: {  	s2 =	sld [smem:$0x3F4E]  }
0x29: {  	s4 =	sld [smem:$0x3F50]  }
0x2a: {  	p0 =	seq.s32 s5, $0x0;
	s5 =	sld [smem:$0x3F51]  }
0x2b: {  	s6 =	sld [smem:$0x3F52]  }
0x2c: {  	s7 =	sld [smem:$0x3F53]  }
0x2d: {  	s3 =	simm.s32 $0x108;
	s8 =	sld [smem:$0x3F54]  }
0x2e: {  	s3 =	simm.s32 @!p0 $0x1082;
	s9 =	sld [smem:$0x3F55]  }
0x2f: {  	lr =	sadd.s32 s0, s3;
	s0 =	sld [smem:$0x3F4C]  }
0x30: {  	s3 =	sld [smem:$0x3F4F]  }
0x31: {  	[smem:$0x3F58] =	sst s10  }
0x32: {  	s10 =	sld [smem:$0x3F56];
	_ =	sdelay $0x3  }
0x33: {  	p0 =	seq.s32 s10, $0x1;
	s10 =	sld [smem:$0x3F58];
	_ =	sdelay $0x3  }
0x34: {  	[smem:$0x3F58] =	sst s10  }
0x35: {  	s10 =	sld [smem:$0x3F57];
	_ =	sdelay $0x3  }
0x36: {  	p1 =	seq.s32 s10, $0x1;
	s10 =	sld [smem:$0x3F58];
	_ =	sdelay $0x3  }
0x37: {  	[smem:$0x3F58] =	sst s10  }
0x38: {  	s10 =	sld [smem:$0x3F59]  }
0x39: {  	_ = 	snop;
	(pc) =	sbr.ind lr, $3  }
0x3a: {  	_ = 	snop  }
0x3b: {  	_ = 	snop  }
0x3c: {  	p2 =	seq.s32 s10, $0x1;
	s10 =	sld [smem:$0x3F58]  }
0x3d: {  	_ =	shalt  }
0x3e: {  	_ =	shalt  }
0x3f: {  	_ =	shalt  }
0x40: {  	_ =	shalt  }
0x41: {  	_ =	shalt  }
0x42: {  	_ =	shalt  }
0x43: {  	_ =	shalt  }
0x44: {  	_ =	shalt  }
0x45: {  	_ =	shalt  }
0x46: {  	_ =	shalt  }
0x47: {  	_ =	shalt  }
0x48: {  	_ =	shalt  }
0x49: {  	_ =	shalt  }
0x4a: {  	_ =	shalt  }
0x4b: {  	_ =	shalt  }
0x4c: {  	_ =	shalt  }
0x4d: {  	_ =	shalt  }
0x4e: {  	_ =	shalt  }
0x4f: {  	_ =	shalt  }
0x50: {  	_ =	shalt  }
0x51: {  	_ =	shalt  }
0x52: {  	_ =	shalt  }
0x53: {  	_ =	shalt  }
0x54: {  	_ =	shalt  }
0x55: {  	_ =	shalt  }
0x56: {  	_ =	shalt  }
0x57: {  	_ =	shalt  }
0x58: {  	_ =	shalt  }
0x59: {  	_ =	shalt  }
0x5a: {  	_ =	shalt  }
0x5b: {  	_ =	shalt  }
0x5c: {  	_ =	shalt  }
0x5d: {  	_ =	shalt  }
0x5e: {  	_ =	shalt  }
0x5f: {  	_ =	shalt  }
0x60: {  	_ =	shalt  }
0x61: {  	_ =	shalt  }
0x62: {  	_ =	shalt  }
0x63: {  	_ =	shalt  }
0x64: {  	_ =	shalt  }
0x65: {  	_ =	shalt  }
0x66: {  	_ =	shalt  }
0x67: {  	_ =	shalt  }
0x68: {  	_ =	shalt  }
0x69: {  	_ =	shalt  }
0x6a: {  	_ =	shalt  }
0x6b: {  	_ =	shalt  }
0x6c: {  	_ =	shalt  }
0x6d: {  	_ =	shalt  }
0x6e: {  	_ =	shalt  }
0x6f: {  	_ =	shalt  }
0x70: {  	_ =	shalt  }
0x71: {  	_ =	shalt  }
0x72: {  	_ =	shalt  }
0x73: {  	_ =	shalt  }
0x74: {  	_ =	shalt  }
0x75: {  	_ =	shalt  }
0x76: {  	_ =	shalt  }
0x77: {  	_ =	shalt  }
0x78: {  	_ =	shalt  }
0x79: {  	_ =	shalt  }
0x7a: {  	_ =	shalt  }
0x7b: {  	_ =	shalt  }
0x7c: {  	_ =	shalt  }
0x7d: {  	_ =	shalt  }
0x7e: {  	_ =	shalt  }
0x7f: {  	_ =	shalt  }
0x80: {  	_ =	shalt  }
0x81: {  	_ =	shalt  }
0x82: {  	_ =	shalt  }
0x83: {  	_ =	shalt  }
0x84: {  	_ =	shalt  }
0x85: {  	_ =	shalt  }
0x86: {  	_ =	shalt  }
0x87: {  	_ =	shalt  }
.Lfunc_end0:
.L_simem_size_0:
called_computation.1_lowered:
.L_overlay_start_0:
0x88: {  	s2 =	sld [smem:$0x3FD9]  }
0x89: {  	s3 =	sld [smem:$0x3FFE];
	_ =	sdelay $0x1  }
0x8a: {  	s1 =	srdreg.scid  }
0x8b: {  	s0 =	sand.u32 $0x1, s1  }
0x8c: {  	s17 =	sshll.u32 s0, $0xA;
	s2 =	sadd.s32 s3, s2  }
0x8d: {  	s2 =	sadd.s32 s2, s17  }
0x8e: {  	[smem:$0x3F64] =	sst s2  }
0x8f: {  	_ = 	snop  }
0x90: {  	s2 =	sld [smem:$0x3FD0];
	(tm) =	ssettm $0x1  }
0x91: {  	s18 =	sld [smem:$0x3FFB];
	_ =	sdelay $0x3  }
0x92: {  	_ =	strace s18  }
0x93: {  	s3 =	sld [smem:$0x3FFC];
	_ =	sdelay $0x3  }
0x94: {  	_ =	strace s3  }
0x95: {  	s3 =	sld [smem:$0x3FFD];
	_ =	sdelay $0x3  }
0x96: {  	_ =	strace s3  }
0x97: {  	_ =	strace $0x8FFFFFFF  }
0x98: {  	s19 =	sld [smem:$0x3FDB];
	_ =	sdelay $0x1  }
0x99: {  	s4 =	simm.s32 $_scs_section_size  }
0x9a: {  	s5 =	simm.s32 $_size__tile_overlayer_lowered;
	s6 =	simm.s32 $_tile_overlayer_lowered  }
0x9b: {  	s22 =	simm.s32 $0x1BFF;
	s21 =	sshll.u32 s6, $0x1;
	s3 =	sadd.s32 s4, s19  }
0x9c: {  	s7 =	simm.s32 $0x0;
	s20 =	sshll.u32 s5, $0x1;
	s5 =	sadd.s32 s21, s3  }
0x9d: {  	[timem:s7], [sflag:s22] =	dma.local [hbm:s5], s20  }
0x9e: {  	_ =	swait.ge [sflag:s22], s20  }
0x9f: {  	s4 =	ssub.s32 $0x0, s20;
	[sflag:s22] =	ssyncset.done $0x0  }
0xa0: {  	[sflag:s22] =	ssyncadd.s32 s4;
	_ =	sdelay $0x1  }
0xa1: {  	s23 =	simm.s32 $0x1B8B  }
0xa2: {  	_ =	swait.ge [sflag:s23], $0x1  }
0xa3: {  	[sflag:s23] =	ssyncset.done $0x0  }
0xa4: {  	s25 =	simm.s32 $0x1B8E;
	s24 =	sld [smem:$0x3FFE];
	[sflag:s23] =	ssyncadd.s32 $0xFFFFFFFF  }
0xa5: {  	s26 =	simm.s32 $execute0_lowered;
	[smem:$0x3FD2] =	sst s25  }
0xa6: {  	s5 =	sshll.u32 s26, $0x1;
	_ =	strace $0x80000046;
	[dreg:$0x1] =	wrdreg $0xFFFFFFFF  }
0xa7: {  	s28 =	simm.s32 $_size_execute0_lowered;
	s3 =	sadd.s32 s3, s5;
	[dreg:$0x0] =	wrdreg $0x0  }
0xa8: {  	s5 =	sshll.u32 s28, $0x1;
	[dreg:$0x2] =	wrdreg s3  }
0xa9: {  	[dreg:$0x3] =	wrdreg s5  }
0xaa: {  	[dreg:$0x4] =	wrdreg $0xC0  }
0xab: {  	_ =	task [dreg:s7], $0x5FFFF  }
0xac: {  	[dreg:$0x1] =	wrdreg $0xFFFFFFFF  }
0xad: {  	[dreg:$0x0] =	wrdreg $0x60  }
0xae: {  	[dreg:$0x2] =	wrdreg s24  }
0xaf: {  	[dreg:$0x3] =	wrdreg s2  }
0xb0: {  	[dreg:$0x4] =	wrdreg $0x9  }
0xb1: {  	_ =	task.clear_ibuf [dreg:s7], $0x5FFFF;
	_ =	strace $0x90000046  }
0xb2: {  	s29 =	simm.s32 $0x9;
	_ =	strace $0x80000048  }
0xb3: {  	_ =	swait.ge [sflag:s29], $0x1  }
0xb4: {  	[sflag:s29] =	ssyncadd.s32 $0xFFFFFFFF  }
0xb5: {  	_ =	strace $0x90000048  }
0xb6: {  	_ =	sfence  }
0xb7: {  	s30 =	sld [smem:$0x0];
	_ =	sdelay $0x2  }
0xb8: {  	s31 =	sshll.u32 s1, $0xD;
	s1 =	sshrl.u32 s1, $0x2  }
0xb9: {  	s3 =	sand.u32 $0x4000, s31;
	s1 =	sadd.s32 s1, s30  }
0xba: {  	s0 =	sor.u32 s3, s0;
	s1 =	sshll.u32 s1, $0x11  }
0xbb: {  	s0 =	sor.u32 s1, s0  }
0xbc: {  	s0 =	sadd.s32 $0x8F2B, s0  }
0xbd: {  	[sflag:s0] =	ssyncadd.remote.s32 $0x1  }
0xbe: {  	_ =	sfence.sel $0xFFFF  }
0xbf: {  	[dreg:$0x0] =	wrdreg $0xFFFFFFFF;
	(pc) =	sbr.abs _section_cstart, $3  }
0xc0: {  	[dreg:$0x1] =	wrdreg $0xFFFFFFFF  }
0xc1: {  	_ =	task.clear_ibuf [dreg:s7], $0x2FFFF;
	_ =	strace $0x9FFFFFFF  }
0xc2: {  	(tm) =	ssettm $0x7FFFFFFF  }
0xc3: {  	_ =	shalt  }
tec
execute0_lowered:
.L_overlay_start_1:
0x0: {  	(tag) =	ssettag $0x1  }
0x1: {  	s7 =	rddreg [dreg:$0x0]  }
0x2: {  	s2 =	rddreg [dreg:$0x1]  }
0x3: {  	s0 =	rddreg [dreg:$0x2]  }
0x4: {  	s1 =	srdreg.scid;
	_ =	strace $0x80000047;
	s4 =	simm.s32 $0x1  }
0x5: {  	s9 =	simm.s32 $0x3;
	s12 =	simm.s32 $0x0;
	s5 =	sshll.u32 s1, $0x4  }
.Ltmp0:
0x6: {  	s1 =	stileid.u32;
	s5 =	sand.u32 $0x10, s5;
	(pc) =	sbr.rel .LBB2_1-.Ltmp0, $4  }
0x7: {  	s10 =	simm.s32 $0x0;
	s3 =	sadd.s32 $0x3E00, s7;
	s6 =	sor.u32 s1, s5  }
0x8: {  	[sflag:s4] =	ssyncpa.u1 $0x0;
	s5 =	simm.s32 $0x2;
	s6 =	sshll.u32 s6, $0x8  }
0x9: {  	s7 =	sadd.s32 $0x86800, s7;
	[sflag:s5] =	ssyncpa.u1 $0x0;
	s8 =	sadd.s32 $0x100, s6  }
0xa: {  	vm0 =	vmmov $0xff;
	vm1 =	vcmask $0x3F20;
	[sflag:s9] =	ssyncpa.u1 $0x0;
	s9 =	simm.s32 $0x100;
	s11 =	smov.u32 s6  }
.LBB2_9:
0xb: {  	p0 =	seq.s32 s10, $0x2  }
.Ltmp1:
0xc: {  	_ = 	snop;
	(pc) =	sbr.rel @p0 .LBB2_11-.Ltmp1, $1  }
0xd: {  	_ =	sdelay $0x3  }
.LBB2_10:
0xe: {  	s12 =	sadd.s32 $0x100, s11  }
0xf: {  	s13 =	smov.u32 s6;
	p0 =	slt.s32 s12, s8  }
0x10: {  	s13 =	smov.u32 @p0 s12  }
0x11: {  	s10 =	sadd.s32 $0x1, s10;
	s12 =	smov.u32 s11;
	s11 =	smov.u32 s13  }
.LBB2_1:
0x12: {  	p0 =	sne.s32 s10, $0x0  }
.Ltmp2:
0x13: {  	_ = 	snop;
	(pc) =	sbr.rel @!p0 .LBB2_2-.Ltmp2, $1  }
0x14: {  	_ =	sdelay $0x3  }
0x15: {  	s13 =	sand.u32 $0x1, s10  }
0x16: {  	p0 =	seq.s32 s13, $0x0  }
.Ltmp3:
0x17: {  	_ = 	snop;
	(pc) =	sbr.rel @p0 .LBB2_9-.Ltmp3, $1  }
0x18: {  	_ =	sdelay $0x3  }
0x19: {  	_ =	swait.ge [sflag:s5], $0x100  }
0x1a: {  	[sflag:s5] =	ssyncset.done $0x0  }
0x1b: {  	s13 =	simm.s32 $0x0;
	[sflag:s5] =	ssyncadd.s32 $0xFFFFFF00  }
0x1c: {  	v0 =	vld.msk [tilespmem:s13+$0x100 ss:$0x1], $0xffff;
	_ =	sdelay $0x4  }
0x1d: {  	v1 =	vshll.u32 v0, $0x3  }
0x1e: {  	vm2 =	veq.s32 v0, $0x80000000;
	v0 =	vshll.u32 v0, $0x12;
	v1 =	vand.u32 $0x3FF80, v1  }
0x1f: {  	v0 =	vand.u32 $0x3C0000, v0;
	v1 =	vsel vm2, $0xFFFFFF80, v1  }
0x20: {  	v0 =	vsel vm2, $0xFFFC0000, v0;
	v2 =	vand.u32 $0xFFFFFC00, v1  }
0x21: {  	v1 =	vand.u32 $0x380, v1;
	v0 =	vadd.s32 v0, v2  }
0x22: {  	v0 =	vor.u32 v1, v0  }
0x23: {  	v0 =	vshrl.u32 v0, $0x3;
	_ =	sdelay $0x3  }
0x24: {  	s13 =	simm.s32 $0x8200  }
0x25: {  	[tilespmem:s13], [sflag:$0x1] =	stream.indirect_vreg.gather [hbm:s3], $0x80, v0, vm0, $0x38;
	[tilespmem:$0x10200] =	vst v63  }
0x26: {  	s14 =	simm.s32 $0x8600;
	s31 =	simm.s32 $0x10  }
0x27: {  	[tilespmem:s14], [sflag:$0x1] =	stream.indirect_vreg.gather [hbm:s3], $0x80, v0, vm1, $0x38;
	[tilespmem:$0x10200] =	vst v63  }
0x28: {  	s14 =	simm.s32 $0x80;
	v0 =	vld.msk [tilespmem:s31+$0x100 ss:$0x1], $0xffff  }
.LBB2_5:
0x29: {  	p0 =	sne.s32 s14, $0x3C0;
	_ =	sdelay $0x4  }
0x2a: {  	v1 =	vshll.u32 v0, $0x3  }
0x2b: {  	vm2 =	veq.s32 v0, $0x80000000;
	v0 =	vshll.u32 v0, $0x12;
	v1 =	vand.u32 $0x3FF80, v1  }
0x2c: {  	v0 =	vand.u32 $0x3C0000, v0;
	v1 =	vsel vm2, $0xFFFFFF80, v1  }
0x2d: {  	v0 =	vsel vm2, $0xFFFC0000, v0;
	v2 =	vand.u32 $0xFFFFFC00, v1  }
0x2e: {  	v1 =	vand.u32 $0x380, v1;
	v0 =	vadd.s32 v0, v2  }
0x2f: {  	v0 =	vor.u32 v1, v0  }
0x30: {  	v0 =	vshrl.u32 v0, $0x3;
	_ =	sdelay $0x3  }
.Ltmp4:
0x31: {  	s13 =	sadd.s32 $0x800, s13;
	(pc) =	sbr.rel @p0 .LBB2_5-.Ltmp4, $4  }
0x32: {  	[tilespmem:s13], [sflag:$0x1] =	stream.indirect_vreg.gather [hbm:s3], $0x80, v0, vm0, $0x38;
	[tilespmem:$0x10200] =	vst v63  }
0x33: {  	s15 =	sshra.s32 s14, $0x2;
	s16 =	sadd.s32 $0x400, s13  }
0x34: {  	[tilespmem:s16], [sflag:$0x1] =	stream.indirect_vreg.gather [hbm:s3], $0x80, v0, vm1, $0x38;
	[tilespmem:$0x10200] =	vst v63  }
0x35: {  	s14 =	sadd.s32 $0x40, s14;
	v0 =	vld.msk [tilespmem:s15+$0x100 ss:$0x1], $0xffff  }
0x36: {  	_ =	sdelay $0x3  }
0x37: {  	v1 =	vshll.u32 v0, $0x3  }
0x38: {  	vm2 =	veq.s32 v0, $0x80000000;
	v63 =	vshll.u32 v0, $0x12;
	v1 =	vand.u32 $0x3FF80, v1  }
0x39: {  	v0 =	vand.u32 $0x3C0000, v63;
	v1 =	vsel vm2, $0xFFFFFF80, v1  }
0x3a: {  	v0 =	vsel vm2, $0xFFFC0000, v0;
	v2 =	vand.u32 $0xFFFFFC00, v1  }
0x3b: {  	v1 =	vand.u32 $0x380, v1;
	v0 =	vadd.s32 v0, v2  }
0x3c: {  	v0 =	vor.u32 v1, v0  }
0x3d: {  	v0 =	vshrl.u32 v0, $0x3;
	_ =	sdelay $0x3  }
0x3e: {  	s13 =	sadd.s32 $0x800, s13  }
0x3f: {  	[tilespmem:s13], [sflag:$0x1] =	stream.indirect_vreg.gather [hbm:s3], $0x80, v0, vm0, $0x38;
	[tilespmem:$0x10200] =	vst v63  }
0x40: {  	s13 =	sadd.s32 $0x400, s13  }
0x41: {  	[tilespmem:s13], [sflag:$0x1] =	stream.indirect_vreg.gather [hbm:s3], $0x80, v0, vm1, $0x38;
	[tilespmem:$0x10200] =	vst v63  }
0x42: {  	s12 =	sshll.u32 s12, $0x4;
	s14 =	simm.s32 $0x80;
	_ =	swait.ge [sflag:s4], $0x8000  }
0x43: {  	s15 =	simm.s32 $0x8600;
	s12 =	sadd.s32 s12, s7;
	[sflag:s4] =	ssyncset.done $0x0  }
0x44: {  	s16 =	sadd.s32 $0x0, s12;
	s13 =	simm.s32 $0x8200;
	[sflag:s4] =	ssyncadd.s32 $0xFFFF8000  }
.LBB2_7:
0x45: {  	[hbm:s16] =	stream.linear.scatter [tilespmem:s13], [sflag:$0x3], $0x400, $0x38;
	[tilespmem:$0x10200] =	vst v63  }
0x46: {  	s16 =	smov.u32 s14;
	s13 =	smov.u32 s15;
	p0 =	sne.s32 s14, $0xF80  }
.Ltmp5:
0x47: {  	s14 =	sadd.s32 $0x80, s14;
	(pc) =	sbr.rel @p0 .LBB2_7-.Ltmp5, $2  }
0x48: {  	_ =	sdelay $0x2  }
0x49: {  	s15 =	sadd.s32 $0x400, s15;
	s16 =	sadd.s32 s16, s12  }
.Ltmp6:
0x4a: {  	(pc) =	sbr.rel .LBB2_9-.Ltmp6, $2  }
0x4b: {  	_ =	sdelay $0x2  }
0x4c: {  	[hbm:s16] =	stream.linear.scatter [tilespmem:s13], [sflag:$0x3], $0x400, $0x38;
	[tilespmem:$0x10200] =	vst v63  }
.LBB2_2:
.Ltmp7:
0x4d: {  	(pc) =	sbr.rel .LBB2_10-.Ltmp7, $4  }
0x4e: {  	_ = 	snop  }
0x4f: {  	s12 =	sshrl.u32 s11, $0x3  }
0x50: {  	s13 =	sand.u32 $0x7, s11;
	s12 =	sadd.s32 s2, s12  }
0x51: {  	[tilespmem:s9], [sflag:$0x2] =	stream.linear.gather [hbm4b:s12+s13], $0x100, $0x38;
	[tilespmem:$0x10200] =	vst v63  }
.LBB2_11:
0x52: {  	s2 =	simm.s32 $0x3  }
0x53: {  	_ =	swait.ge [sflag:s2], $0x8000  }
0x54: {  	[sflag:s2] =	ssyncset.done $0x0  }
0x55: {  	[sflag:s2] =	ssyncadd.s32 $0xFFFF8000  }
0x56: {  	_ =	sfence.sel $0x180000  }
0x57: {  	s3 =	simm.s32 $0x2;
	[bflag:$0x0] =	sbarrier.arrive $0xFFFF  }
0x58: {  	[sflag:s3] =	ssyncpa.u1 $0x1  }
0x59: {  	s31 =	simm.s32 $0x1;
	[sflag:s2] =	ssyncpa.u1 $0x1  }
0x5a: {  	[sflag:s31] =	ssyncpa.u1 $0x1  }
0x5b: {  	p0 =	sne.s32 s1, $0x0;
	_ =	strace $0x90000047  }
0x5c: {  	s0 =	sadd.s32 @!p0 $0x100000, s0;
	[bflag:$0x2] =	sbarrier.arrive $0xFFFF  }
0x5d: {  	[sflag:s0] =	ssyncadd.tile.s32 @!p0 $0x1;
	_ =	shalt  }
.Lfunc_end2:
_tile_overlayer_lowered:
.L_overlay_start_2:
0x5e: {  	(tag) =	ssettag $0x2  }
0x5f: {  	s0 =	rddreg [dreg:$0x0];
	s2 =	stileid.u32  }
0x60: {  	s1 =	rddreg [dreg:$0x1];
	p0 =	sne.s32 s2, $0x0  }
0x61: {  	s3 =	rddreg [dreg:$0x2];
	[bflag:$0x3] =	sbarrier.arrive $0xFFFF;
	s2 =	simm.s32 @!p0 $0x1C01  }
0x62: {  	[timem:s3], [sflag:s2] =	dma.local @!p0 [hbm:s0], s1  }
0x63: {  	s0 =	simm.s32 @!p0 $0x1  }
0x64: {  	_ =	swait.ge @!p0 [sflag:s0], s1  }
0x65: {  	s1 =	ssub.s32 @!p0 $0x0, s1;
	[sflag:s0] =	ssyncset.done @!p0 $0x0  }
0x66: {  	[sflag:s0] =	ssyncadd.s32 @!p0 s1  }
0x67: {  	[bflag:$0x3] =	sbarrier.arrive $0xFFFF  }
0x68: {  	_ =	shalt  }

// kernel: sparse-core-data-format-call.cloned.1.call-start
scs
called_computation_lowered:
.L_overlay_start_0:
0x0: {  	s1 =	sld [smem:$0x3FD9]  }
0x1: {  	s2 =	sld [smem:$0x3FFE];
	_ =	sdelay $0x1  }
0x2: {  	s3 =	srdreg.scid  }
0x3: {  	s0 =	sand.u32 $0x1, s3  }
0x4: {  	s17 =	sshll.u32 s0, $0xA;
	s1 =	sadd.s32 s2, s1  }
0x5: {  	s1 =	sadd.s32 s1, s17  }
0x6: {  	[smem:$0x3F64] =	sst s1  }
0x7: {  	_ = 	snop  }
0x8: {  	(tm) =	ssettm $0x1  }
0x9: {  	s18 =	sld [smem:$0x3FFB];
	_ =	sdelay $0x3  }
0xa: {  	_ =	strace s18  }
0xb: {  	s1 =	sld [smem:$0x3FFC];
	_ =	sdelay $0x3  }
0xc: {  	_ =	strace s1  }
0xd: {  	s1 =	sld [smem:$0x3FFD];
	_ =	sdelay $0x3  }
0xe: {  	_ =	strace s1  }
0xf: {  	_ =	strace $0x8FFFFFFF  }
0x10: {  	s19 =	sld [smem:$0x3FDB];
	_ =	sdelay $0x1  }
0x11: {  	s20 =	simm.s32 $_scs_section_size  }
0x12: {  	s4 =	simm.s32 $_size__tile_overlayer_lowered;
	s5 =	simm.s32 $_tile_overlayer_lowered  }
0x13: {  	s23 =	simm.s32 $0x1BFF;
	s22 =	sshll.u32 s5, $0x1;
	s1 =	sadd.s32 s20, s19  }
0x14: {  	s6 =	simm.s32 $0x0;
	s21 =	sshll.u32 s4, $0x1;
	s4 =	sadd.s32 s22, s1  }
0x15: {  	[timem:s6], [sflag:s23] =	dma.local [hbm:s4], s21  }
0x16: {  	_ =	swait.ge [sflag:s23], s21  }
0x17: {  	s2 =	ssub.s32 $0x0, s21;
	[sflag:s23] =	ssyncset.done $0x0  }
0x18: {  	[sflag:s23] =	ssyncadd.s32 s2;
	_ =	sdelay $0x1  }
0x19: {  	s24 =	simm.s32 $0x1B8B  }
0x1a: {  	_ =	swait.ge [sflag:s24], $0x1  }
0x1b: {  	[sflag:s24] =	ssyncset.done $0x0  }
0x1c: {  	s26 =	simm.s32 $0x1B8E;
	s25 =	sld [smem:$0x3FFE];
	[sflag:s24] =	ssyncadd.s32 $0xFFFFFFFF  }
0x1d: {  	s27 =	simm.s32 $execute0_lowered;
	[smem:$0x3FD2] =	sst s26  }
0x1e: {  	s4 =	sshll.u32 s27, $0x1;
	_ =	strace $0x8000004C;
	[dreg:$0x1] =	wrdreg $0xFFFFFFFF  }
0x1f: {  	s28 =	simm.s32 $_size_execute0_lowered;
	s1 =	sadd.s32 s1, s4;
	[dreg:$0x0] =	wrdreg $0x0  }
0x20: {  	s4 =	sshll.u32 s28, $0x1;
	[dreg:$0x2] =	wrdreg s1  }
0x21: {  	[dreg:$0x3] =	wrdreg s4  }
0x22: {  	[dreg:$0x4] =	wrdreg $0xC0  }
0x23: {  	_ =	task [dreg:s6], $0x5FFFF  }
0x24: {  	[dreg:$0x1] =	wrdreg $0xFFFFFFFF  }
0x25: {  	[dreg:$0x0] =	wrdreg $0x60  }
0x26: {  	[dreg:$0x2] =	wrdreg s25  }
0x27: {  	[dreg:$0x3] =	wrdreg $0x9  }
0x28: {  	_ =	task.clear_ibuf [dreg:s6], $0x4FFFF;
	_ =	strace $0x9000004C  }
0x29: {  	s29 =	simm.s32 $0x9;
	_ =	strace $0x8000004E  }
0x2a: {  	_ =	swait.ge [sflag:s29], $0x1  }
0x2b: {  	[sflag:s29] =	ssyncadd.s32 $0xFFFFFFFF  }
0x2c: {  	_ =	strace $0x9000004E  }
0x2d: {  	_ =	sfence  }
0x2e: {  	s30 =	sld [smem:$0x0];
	_ =	sdelay $0x2  }
0x2f: {  	s31 =	sshll.u32 s3, $0xD;
	s3 =	sshrl.u32 s3, $0x2  }
0x30: {  	s2 =	sand.u32 $0x4000, s31;
	s1 =	sadd.s32 s3, s30  }
0x31: {  	s0 =	sor.u32 s2, s0;
	s1 =	sshll.u32 s1, $0x11  }
0x32: {  	s0 =	sor.u32 s1, s0  }
0x33: {  	s0 =	sadd.s32 $0x8F2B, s0  }
0x34: {  	[sflag:s0] =	ssyncadd.remote.s32 $0x1  }
0x35: {  	_ =	sfence.sel $0xFFFF  }
0x36: {  	[dreg:$0x0] =	wrdreg $0xFFFFFFFF;
	(pc) =	sbr.abs _section_cstart, $3  }
0x37: {  	[dreg:$0x1] =	wrdreg $0xFFFFFFFF  }
0x38: {  	_ =	task.clear_ibuf [dreg:s6], $0x2FFFF;
	_ =	strace $0x9FFFFFFF  }
0x39: {  	(tm) =	ssettm $0x7FFFFFFF  }
tec
execute0_lowered:
.L_overlay_start_1:
0x0: {  	(tag) =	ssettag $0x1  }
0x1: {  	s1 =	rddreg [dreg:$0x0]  }
0x2: {  	s0 =	rddreg [dreg:$0x1];
	s2 =	srdreg.scid;
	_ =	strace $0x8000004D  }
0x3: {  	s5 =	simm.s32 $0x1;
	s8 =	simm.s32 $0x2;
	s13 =	simm.s32 $0x0  }
0x4: {  	p0 =	por $0x0, $0x0;
	s9 =	simm.s32 $0x40000;
	s14 =	simm.s32 $0x0  }
.Ltmp0:
0x5: {  	s11 =	stileid.u32;
	s2 =	sand.u32 $0x1, s2;
	(pc) =	sbr.rel .LBB1_1-.Ltmp0, $4  }
0x6: {  	s12 =	simm.s32 $0x0;
	s3 =	sadd.s32 $0xAF400, s1;
	s6 =	ssub.s32 $0x80, s2  }
0x7: {  	s4 =	sadd.s32 $0x2AF400, s1;
	[sflag:s5] =	ssyncpa.u1 $0x0;
	s7 =	sshrl.u32 s6, $0x1  }
0x8: {  	s1 =	stileid.u32;
	[sflag:s8] =	ssyncpa.u1 $0x0;
	s6 =	ssub.s32 s6, s7  }
0x9: {  	s8 =	simm.s32 $0x40;
	s10 =	smov.u32 s2;
	s7 =	sadd.s32 $0x1, s6  }
.LBB1_4:
0xa: {  	v5 =	vld [tilespmem:s18+$0xFFFFFFD0];
	[tilespmem:s17+$0x1040 ss:$0x41] =	vst.msk $0xffff, v1  }
0xb: {  	v58 =	vld [tilespmem:s18+$0xFFFFFFE0];
	[tilespmem:s17+$0x1450 ss:$0x41] =	vst.msk $0xffff, v2  }
0xc: {  	s19 =	sshra.s32 s19, $0x2;
	v59 =	vld [tilespmem:s18+$0xFFFFFFF0];
	[tilespmem:s17+$0x1860 ss:$0x41] =	vst.msk $0xffff, v3  }
0xd: {  	v60 =	vld [tilespmem:s18+$0x0];
	[tilespmem:s17+$0x0 ss:$0x41] =	vst.msk $0xffff, v0;
	s16 =	sadd.s32 s19, s16  }
0xe: {  	v61 =	vld [tilespmem:s18+$0x10];
	[tilespmem:s16+$0x1C70 ss:$0x41] =	vst.msk $0xffff, v4  }
0xf: {  	v62 =	vld [tilespmem:s18+$0x20];
	[tilespmem:s16+$0x410 ss:$0x41] =	vst.msk $0xffff, v5  }
0x10: {  	v63 =	vld [tilespmem:s18+$0xFFFFFFC0];
	[tilespmem:s16+$0x820 ss:$0x41] =	vst.msk $0xffff, v58  }
0x11: {  	[tilespmem:s16+$0xC30 ss:$0x41] =	vst.msk $0xffff, v59  }
0x12: {  	[tilespmem:s16+$0x1040 ss:$0x41] =	vst.msk $0xffff, v60  }
0x13: {  	s14 =	sshll.u32 s14, $0xB;
	s13 =	sshll.u32 s13, $0x4;
	[tilespmem:s16+$0x1450 ss:$0x41] =	vst.msk $0xffff, v61  }
0x14: {  	s13 =	sand.u32 $0x7F0, s13;
	s14 =	sadd.s32 s4, s14;
	[tilespmem:s16+$0x1860 ss:$0x41] =	vst.msk $0xffff, v62  }
0x15: {  	s13 =	sadd.s32 s13, s14;
	[tilespmem:s16+$0x0 ss:$0x41] =	vst.msk $0xffff, v63  }
0x16: {  	[hbm4b:s13+s8] =	stream.strided.scatter [tilespmem:s15], [sflag:$0x2], $0x2000, s9, s8, $0x18;
	[tilespmem:$0x8100] =	vst v63  }
.LBB1_5:
0x17: {  	s15 =	sadd.s32 $0x2, s10  }
0x18: {  	s13 =	sadd.s32 $0x10, s11;
	s17 =	smov.u32 s11;
	p2 =	sgt.s32 s15, $0x7F  }
0x19: {  	s17 =	smov.u32 @p2 s13  }
0x1a: {  	s15 =	smov.u32 @p2 s2;
	p2 =	sgt.s32 s17, $0xF  }
0x1b: {  	s17 =	smov.u32 @p2 s1;
	p2 =	sne.s32 s12, s7  }
.Ltmp1:
0x1c: {  	p1 =	slt.u32 s12, $0x2;
	(pc) =	sbr.rel @!p2 .LBB1_6-.Ltmp1, $4  }
0x1d: {  	s16 =	simm.s32 @!p1 $0x2  }
0x1e: {  	s14 =	smov.u32 s11;
	p0 =	por !p0, !p0;
	_ =	swait.ge @!p1 [sflag:s16], $0x2000  }
0x1f: {  	s13 =	smov.u32 s10;
	[sflag:s16] =	ssyncset.done @!p1 $0x0;
	s10 =	smov.u32 s15  }
0x20: {  	s12 =	sadd.s32 $0x1, s12;
	[sflag:s16] =	ssyncadd.s32 @!p1 $0xFFFFE000;
	s11 =	smov.u32 s17  }
.LBB1_1:
0x21: {  	p1 =	sge.u32 s12, s6  }
0x22: {  	s31 =	sadd.s32 $0xFFFFFFFF, s12;
	s15 =	sxor.u32 @!p1 $0xFFFFFFFF, s12;
	s16 =	sshll.u32 @!p1 s11, $0x11  }
0x23: {  	s17 =	sshll.u32 @!p1 s10, $0xA;
	s15 =	sshll.u32 @!p1 s15, $0xD;
	s16 =	sadd.s32 @!p1 s3, s16  }
0x24: {  	s15 =	sand.u32 @!p1 $0x2000, s15;
	s16 =	sadd.s32 @!p1 s17, s16;
	s17 =	simm.s32 @!p1 $0x0  }
0x25: {  	[tilespmem:s15], [sflag:$0x1] =	stream.linear.gather @!p1 [hbm4b:s16+s17], $0x2000, $0x38;
	[tilespmem:$0x8100] =	vst v63  }
0x26: {  	p1 =	sge.u32 s31, s6  }
.Ltmp2:
0x27: {  	_ = 	snop;
	(pc) =	sbr.rel @p1 .LBB1_5-.Ltmp2, $1  }
0x28: {  	_ =	sdelay $0x3  }
0x29: {  	s15 =	simm.s32 $0x1  }
0x2a: {  	_ =	swait.ge [sflag:s5], $0x2000;
	s15 =	simm.s32 @!p0 $0x0  }
0x2b: {  	[sflag:s5] =	ssyncset.done $0x0;
	s16 =	sshll.u32 s15, $0xD  }
0x2c: {  	[sflag:s5] =	ssyncadd.s32 $0xFFFFE000;
	s18 =	sor.u32 $0x40, s16  }
0x2d: {  	s15 =	smul.u32 $0x8200, s15;
	v0 =	vld [tilespmem:s18+$0x30]  }
0x2e: {  	v3 =	vld [tilespmem:s18+$0xFFFFFFD0]  }
0x2f: {  	s15 =	sshrl.u32 s15, $0x2;
	v4 =	vld [tilespmem:s18+$0xFFFFFFE0]  }
0x30: {  	v5 =	vld [tilespmem:s18+$0xFFFFFFF0];
	s16 =	sor.u32 $0x4000, s15  }
0x31: {  	s31 =	sand.u32 $0x1, s12;
	v1 =	vld [tilespmem:s18+$0x0];
	s17 =	sadd.s32 $0x0, s16  }
0x32: {  	v2 =	vld [tilespmem:s18+$0x10];
	s15 =	smul.u32 $0x8200, s31;
	[tilespmem:s17+$0x1C70 ss:$0x41] =	vst.msk $0xffff, v0  }
0x33: {  	[tilespmem:s17+$0x410 ss:$0x41] =	vst.msk $0xffff, v3;
	v3 =	vld [tilespmem:s18+$0x20]  }
0x34: {  	s15 =	sshrl.u32 s15, $0x2;
	v0 =	vld [tilespmem:s18+$0xFFFFFFC0];
	[tilespmem:s17+$0x820 ss:$0x41] =	vst.msk $0xffff, v4;
	s18 =	sadd.s32 $0x80, s18  }
0x35: {  	s19 =	simm.s32 $0x4;
	s20 =	simm.s32 $0x8;
	s15 =	sor.u32 $0x4000, s15;
	[tilespmem:s17+$0xC30 ss:$0x41] =	vst.msk $0xffff, v5;
	v4 =	vld [tilespmem:s18+$0x30]  }
.LBB1_3:
0x36: {  	p1 =	sne.s32 s20, $0xFC;
	v5 =	vld [tilespmem:s18+$0xFFFFFFD0];
	[tilespmem:s17+$0x1040 ss:$0x41] =	vst.msk $0xffff, v1  }
0x37: {  	v6 =	vld [tilespmem:s18+$0xFFFFFFE0];
	[tilespmem:s17+$0x1450 ss:$0x41] =	vst.msk $0xffff, v2  }
0x38: {  	s21 =	sshra.s32 s19, $0x2;
	s19 =	smov.u32 s20;
	v7 =	vld [tilespmem:s18+$0xFFFFFFF0];
	[tilespmem:s17+$0x1860 ss:$0x41] =	vst.msk $0xffff, v3  }
.Ltmp3:
0x39: {  	v1 =	vld [tilespmem:s18+$0x0];
	[tilespmem:s17+$0x0 ss:$0x41] =	vst.msk $0xffff, v0;
	s17 =	sadd.s32 s21, s16;
	(pc) =	sbr.rel @p1 .LBB1_3-.Ltmp3, $4  }
0x3a: {  	v2 =	vld [tilespmem:s18+$0x10];
	[tilespmem:s17+$0x1C70 ss:$0x41] =	vst.msk $0xffff, v4  }
0x3b: {  	[tilespmem:s17+$0x410 ss:$0x41] =	vst.msk $0xffff, v5;
	v3 =	vld [tilespmem:s18+$0x20]  }
0x3c: {  	v0 =	vld [tilespmem:s18+$0xFFFFFFC0];
	[tilespmem:s17+$0x820 ss:$0x41] =	vst.msk $0xffff, v6;
	s18 =	sadd.s32 $0x80, s18  }
0x3d: {  	s20 =	sadd.s32 $0x4, s20;
	v4 =	vld [tilespmem:s18+$0x30];
	[tilespmem:s17+$0xC30 ss:$0x41] =	vst.msk $0xffff, v7  }
.Ltmp4:
0x3e: {  	_ = 	snop;
	(pc) =	sbr.rel .LBB1_4-.Ltmp4, $1  }
0x3f: {  	_ =	sdelay $0x3  }
.LBB1_6:
0x40: {  	_ =	sfence.sel $0x180000  }
0x41: {  	s2 =	simm.s32 $0x1;
	[bflag:$0x0] =	sbarrier.arrive $0xFFFF  }
0x42: {  	s31 =	simm.s32 $0x2;
	[sflag:s2] =	ssyncpa.u1 $0x1  }
0x43: {  	[sflag:s31] =	ssyncpa.u1 $0x1  }
0x44: {  	p0 =	sne.s32 s1, $0x0;
	_ =	strace $0x9000004D  }
0x45: {  	s0 =	sadd.s32 @!p0 $0x100000, s0;
	[bflag:$0x2] =	sbarrier.arrive $0xFFFF  }
0x46: {  	[sflag:s0] =	ssyncadd.tile.s32 @!p0 $0x1;
	_ =	shalt  }
.Lfunc_end1:
_tile_overlayer_lowered:
.L_overlay_start_2:
0x47: {  	(tag) =	ssettag $0x2  }
0x48: {  	s0 =	rddreg [dreg:$0x0];
	s2 =	stileid.u32  }
0x49: {  	s1 =	rddreg [dreg:$0x1];
	p0 =	sne.s32 s2, $0x0  }
0x4a: {  	s3 =	rddreg [dreg:$0x2];
	[bflag:$0x3] =	sbarrier.arrive $0xFFFF;
	s2 =	simm.s32 @!p0 $0x1C01  }
0x4b: {  	[timem:s3], [sflag:s2] =	dma.local @!p0 [hbm:s0], s1  }
0x4c: {  	s0 =	simm.s32 @!p0 $0x1  }
0x4d: {  	_ =	swait.ge @!p0 [sflag:s0], s1  }
0x4e: {  	s1 =	ssub.s32 @!p0 $0x0, s1;
	[sflag:s0] =	ssyncset.done @!p0 $0x0  }
0x4f: {  	[sflag:s0] =	ssyncadd.s32 @!p0 s1  }
0x50: {  	[bflag:$0x3] =	sbarrier.arrive $0xFFFF  }
0x51: {  	_ =	shalt  }

</sc_bundles>
